<compile_context>
chip_gen: v7x
topology: tpu7x:2x2x1
jax: 0.10.2.dev20260603
libtpu: 0.0.44.dev20260713+nightly
codegen_flags: <defaults>
</compile_context>

<pallas_src>
import functools

import jax
import jax.numpy as jnp
from jax import lax
from jax.experimental import pallas as pl
from jax.experimental.pallas import tpu as pltpu
from jax.experimental.pallas import tpu_sc as plsc

N = 10000
E = 320000
NC = 2
NS = 16
NW = NC * NS
CHUNK = 128
NCHUNK_A = 79
EPT_A = NCHUNK_A * CHUNK
EPAD_A = EPT_A * NW
NBUF = 2
SUB = 2
NG = 80
GSZ = SUB * CHUNK
EPT_B = NG * GSZ
EPAD_B = EPT_B * NS
NPAD = 10112
STRIPE = NPAD // NS
HQ = 32

_mesh = plsc.VectorSubcoreMesh(
    core_axis_name="c", subcore_axis_name="s", num_cores=NC, num_subcores=NS)


@functools.partial(
    pl.kernel,
    out_type=jax.ShapeDtypeStruct((NC, NPAD, 16), jnp.float32),
    mesh=_mesh,
    scratch_types=[
        pltpu.VMEM((NCHUNK_A, CHUNK), jnp.int32),
        pltpu.VMEM((CHUNK, 16), jnp.float32),
        pltpu.VMEM((320, 16), jnp.float32),
        pltpu.VMEM_SHARED((NPAD, 16), jnp.float32),
    ],
    compiler_params=pltpu.CompilerParams(use_tc_tiling_on_sc=False),
)
def _deg_kernel(col_hbm, out_hbm, colv, ones_v, zbuf, acc):
    c = lax.axis_index("c")
    s = lax.axis_index("s")
    wid = c * NS + s
    pltpu.sync_copy(col_hbm.at[wid], colv)

    def fill(i, carry):
        ones_v[i, :] = jnp.ones((16,), jnp.float32)
        return carry

    lax.fori_loop(0, CHUNK, fill, 0)

    def fill_zero(i, carry):
        zbuf[i, :] = jnp.zeros((16,), jnp.float32)
        return carry

    lax.fori_loop(0, 320, fill_zero, 0)

    base = s * STRIPE
    pltpu.sync_copy(zbuf, acc.at[pl.ds(base, 320)])
    pltpu.sync_copy(zbuf.at[pl.ds(0, 312)], acc.at[pl.ds(base + 320, 312)])
    plsc.subcore_barrier()

    def body(j, carry):
        pltpu.sync_copy(ones_v, acc.at[colv.at[j]], add=True)
        return carry

    lax.fori_loop(0, NCHUNK_A, body, 0)
    plsc.subcore_barrier()
    pltpu.sync_copy(acc.at[pl.ds(base, STRIPE)],
                    out_hbm.at[c, pl.ds(base, STRIPE)])


@functools.partial(
    pl.kernel,
    out_type=jax.ShapeDtypeStruct((2 * NC, NPAD, HQ), jnp.float32),
    mesh=_mesh,
    scratch_types=[
        pltpu.VMEM((NG, GSZ), jnp.int32),
        pltpu.VMEM((NG, GSZ), jnp.int32),
        pltpu.VMEM((NBUF, GSZ, HQ), jnp.float32),
        pltpu.VMEM((128, HQ), jnp.float32),
        pltpu.VMEM_SHARED((NPAD, HQ), jnp.float32),
        pltpu.VMEM_SHARED((NPAD, HQ), jnp.float32),
        [pltpu.SemaphoreType.DMA] * NBUF,
        [pltpu.SemaphoreType.DMA] * NBUF,
    ],
    compiler_params=pltpu.CompilerParams(use_tc_tiling_on_sc=False),
)
def _agg(row_hbm, col_hbm, y_hbm, out_hbm, rowv, colv, msg, zbuf, acc,
         ystage, gsem, ssem):
    c = lax.axis_index("c")
    s = lax.axis_index("s")
    base = s * STRIPE
    pltpu.sync_copy(row_hbm.at[s], rowv)
    pltpu.sync_copy(col_hbm.at[s], colv)

    def fz(i, carry):
        def fz2(j, carry2):
            zbuf[i, pl.ds(j * 16, 16)] = jnp.zeros((16,), jnp.float32)
            return carry2

        return lax.fori_loop(0, HQ // 16, fz2, carry)

    lax.fori_loop(0, 128, fz, 0)

    def gather(j, b):
        return pltpu.async_copy(ystage.at[rowv.at[j]], msg.at[b], gsem[b])

    for p in range(2):
        q = c * 2 + p
        pltpu.sync_copy(y_hbm.at[pl.ds(q * NPAD + base, STRIPE)],
                        ystage.at[pl.ds(base, STRIPE)])
        for k in range(4):
            pltpu.sync_copy(zbuf, acc.at[pl.ds(base + 128 * k, 128)])
        pltpu.sync_copy(zbuf.at[pl.ds(0, STRIPE - 512)],
                        acc.at[pl.ds(base + 512, STRIPE - 512)])
        plsc.subcore_barrier()

        for b in range(NBUF):
            gather(b, b)

        def outer(i, carry):
            j0 = i * NBUF
            for b in range(NBUF):
                pltpu.make_async_copy(
                    ystage.at[rowv.at[j0 + b]], msg.at[b], gsem[b]).wait()
                pltpu.async_copy(msg.at[b], acc.at[colv.at[j0 + b]],
                                 ssem[b], add=True)
            for b in range(NBUF):
                pltpu.make_async_copy(
                    msg.at[b], acc.at[colv.at[j0 + b]], ssem[b]).wait()

                @pl.when(i < NG // NBUF - 1)
                def _():
                    gather(j0 + NBUF + b, b)

            return carry

        lax.fori_loop(0, NG // NBUF, outer, 0)
        plsc.subcore_barrier()
        pltpu.sync_copy(acc.at[pl.ds(base, STRIPE)],
                        out_hbm.at[q, pl.ds(base, STRIPE)])



def _tc_pre_body(degp_ref, x_ref, w_ref, y_ref, dinv_ref):
    deg = 1.0 + degp_ref[0, :, 0:1] + degp_ref[1, :, 0:1]
    dinv = 1.0 / jnp.sqrt(deg)
    xw = jnp.dot(x_ref[...], w_ref[...], preferred_element_type=jnp.float32)
    y = dinv[:N] * xw
    for q in range(4):
        y_ref[q, :N, :] = y[:, q * HQ:(q + 1) * HQ]
    dinv_ref[...] = dinv


BR = NPAD // 8


def _tc_step_body(aggp_ref, y_ref, dinv_ref, b_ref, w_ref, out_ref):
    dinv = dinv_ref[...]
    hw = jnp.zeros((BR, 128), jnp.float32)
    for q in range(4):
        hq = jnp.maximum(
            dinv * (aggp_ref[q] + y_ref[q]) + b_ref[:, q * HQ:(q + 1) * HQ],
            0.0)
        hw = hw + jnp.dot(hq, w_ref[q * HQ:(q + 1) * HQ, :],
                          preferred_element_type=jnp.float32)
    y_next = dinv * hw
    for q in range(4):
        out_ref[q] = y_next[:, q * HQ:(q + 1) * HQ]


def _tc_fin_body(y4_ref, dinv_ref, fw1_ref, fb1_ref, fw2_ref, fb2_ref, q_ref):
    h3 = jnp.concatenate(
        [y4_ref[0, :N, :], y4_ref[1, :N, :]], axis=1) / dinv_ref[:N, :]
    g = jnp.mean(h3, axis=0, keepdims=True)
    g2 = jnp.maximum(
        jnp.dot(g, fw1_ref[...], preferred_element_type=jnp.float32)
        + fb1_ref[...], 0.0)
    q_ref[...] = (jnp.dot(g2, fw2_ref[...], preferred_element_type=jnp.float32)
                  + fb2_ref[...])


def kernel(x, edge_index, W1, b1, W2, b2, W3, b3, fw1, fb1, fw2, fb2):
    row = edge_index[0].astype(jnp.int32)
    col = edge_index[1].astype(jnp.int32)
    col_a = jnp.concatenate(
        [col, jnp.full((EPAD_A - E,), N, jnp.int32)]).reshape(
            NW, NCHUNK_A, CHUNK)
    row_b = jnp.concatenate(
        [row, jnp.zeros((EPAD_B - E,), jnp.int32)]).reshape(NS, NG, GSZ)
    pad_dst = N + jnp.arange(EPAD_B - E, dtype=jnp.int32) % (NPAD - N)
    col_b = jnp.concatenate([col, pad_dst]).reshape(NS, NG, GSZ)

    degp = _deg_kernel(col_a)

    y1, dinv = pl.pallas_call(
        _tc_pre_body,
        out_shape=[jax.ShapeDtypeStruct((4, NPAD, HQ), jnp.float32),
                   jax.ShapeDtypeStruct((NPAD, 1), jnp.float32)],
    )(degp, x, W1)

    w3p = jnp.concatenate([W3, jnp.zeros((128, 64), jnp.float32)], axis=1)
    w_st = jnp.stack([W2, w3p, jnp.eye(128, dtype=jnp.float32)])
    b3p = jnp.concatenate([b3, jnp.zeros((64,), jnp.float32)])
    b_st = jnp.stack([b1.reshape(1, 128), b2.reshape(1, 128),
                      b3p.reshape(1, 128)])

    qblock = pl.BlockSpec((4, BR, HQ), lambda i: (0, i, 0))
    step_tc = pl.pallas_call(
        _tc_step_body,
        grid=(NPAD // BR,),
        in_specs=[
            qblock,
            qblock,
            pl.BlockSpec((BR, 1), lambda i: (i, 0)),
            pl.BlockSpec((1, 128), lambda i: (0, 0)),
            pl.BlockSpec((128, 128), lambda i: (0, 0)),
        ],
        out_specs=qblock,
        out_shape=jax.ShapeDtypeStruct((4, NPAD, HQ), jnp.float32),
    )

    def step(y, wb):
        w_i, b_i = wb
        aggp = _agg(row_b, col_b, y.reshape(4 * NPAD, HQ))
        aggp = aggp.reshape(4, NPAD, HQ)
        return step_tc(aggp, y, dinv, b_i, w_i), None

    y4, _ = lax.scan(step, y1, (w_st, b_st))

    q = pl.pallas_call(
        _tc_fin_body,
        out_shape=jax.ShapeDtypeStruct((1, 64), jnp.float32),
    )(y4, dinv, fw1, fb1.reshape(1, 32), fw2, fb2.reshape(1, 64))
    return q

# --- scband reference (transcript-rebuilt; emitter-appended) ---
"""Pipeline reference for scband-gnn-76553497084653 (READ-ONLY COPY).

The authoritative reference and input builder live on the scoring server;
editing this copy changes nothing except your own understanding.
"""

import jax, jax.numpy as jnp
import numpy as np

N_NODES = 10000
N_EDGES = 320000
IN_CH = 128
OUT_CH = 64


def _gcn_conv(x, row, col, n, W, b):
    # x' = D^-1/2 (A + I) D^-1/2 x W + b  (PyG GCNConv with self-loops)
    xw = x @ W
    deg = jnp.zeros((n,), dtype=x.dtype).at[col].add(1.0)
    dinv = jnp.where(deg > 0, 1.0 / jnp.sqrt(deg), 0.0)
    norm = dinv[row] * dinv[col]
    msg = xw[row] * norm[:, None]
    out = jnp.zeros((n, W.shape[1]), dtype=x.dtype).at[col].add(msg)
    return out + b


def setup_inputs(seed: int = 0) -> dict:
    key = jax.random.key(seed)
    ks = jax.random.split(key, 12)
    x = jax.random.normal(ks[0], (N_NODES, IN_CH), dtype=jnp.float32)
    edge_index = jax.random.randint(ks[1], (2, N_EDGES), 0, N_NODES, dtype=jnp.int64)
    def lin(k, fi, fo):
        return jax.random.normal(k, (fi, fo), dtype=jnp.float32) / jnp.sqrt(fi)
    return {
        "x": x,
        "edge_index": edge_index,
        "W1": lin(ks[2], IN_CH, 128), "b1": jnp.zeros((128,), jnp.float32),
        "W2": lin(ks[3], 128, 128), "b2": jnp.zeros((128,), jnp.float32),
        "W3": lin(ks[4], 128, 64), "b3": jnp.zeros((64,), jnp.float32),
        "fw1": lin(ks[5], 64, 32), "fb1": jnp.zeros((32,), jnp.float32),
        "fw2": lin(ks[6], 32, OUT_CH), "fb2": jnp.zeros((OUT_CH,), jnp.float32),
    }


def reference(x, edge_index, W1, b1, W2, b2, W3, b3, fw1, fb1, fw2, fb2):
    n = x.shape[0]
    loop = jnp.arange(n, dtype=edge_index.dtype)
    row = jnp.concatenate([edge_index[0], loop])
    col = jnp.concatenate([edge_index[1], loop])
    h = jax.nn.relu(_gcn_conv(x, row, col, n, W1, b1))
    h = jax.nn.relu(_gcn_conv(h, row, col, n, W2, b2))
    h = jax.nn.relu(_gcn_conv(h, row, col, n, W3, b3))
    # global_mean_pool with batch = zeros -> single graph mean
    g = jnp.mean(h, axis=0, keepdims=True)
    g = jax.nn.relu(g @ fw1 + fb1)
    q = g @ fw2 + fb2
    return q

if __name__ == "__main__":
    import jax
    _d = setup_inputs()
    print(jax.jit(kernel)(*tuple(_d.values())))

</pallas_src>

<mosaic_0001>
#map = affine_map<(d0, d1) -> (0, 0, 0)>
#map1 = affine_map<(d0, d1) -> (0, 0)>
module attributes {stable_mosaic.version = 14 : i64} {
  func.func @_agg(%arg0: i32, %arg1: i32, %arg2: memref<16x80x256xi32, #tpu.memory_space<hbm>>, %arg3: memref<16x80x256xi32, #tpu.memory_space<hbm>>, %arg4: memref<40448x32xf32, #tpu.memory_space<hbm>>, %arg5: memref<4x10112x32xf32, #tpu.memory_space<hbm>>, %arg6: memref<80x256xi32, #tpu.memory_space<vmem>>, %arg7: memref<80x256xi32, #tpu.memory_space<vmem>>, %arg8: memref<2x256x32xf32, #tpu.memory_space<vmem>>, %arg9: memref<128x32xf32, #tpu.memory_space<vmem>>, %arg10: memref<10112x32xf32, #tpu.memory_space<vmem_shared>>, %arg11: memref<10112x32xf32, #tpu.memory_space<vmem_shared>>, %arg12: memref<!tpu.dma_semaphore, #tpu.memory_space<semaphore_mem>>, %arg13: memref<!tpu.dma_semaphore, #tpu.memory_space<semaphore_mem>>, %arg14: memref<!tpu.dma_semaphore, #tpu.memory_space<semaphore_mem>>, %arg15: memref<!tpu.dma_semaphore, #tpu.memory_space<semaphore_mem>>) attributes {dimension_semantics = [#tpu.dimension_semantics<core_parallel>, #tpu.dimension_semantics<subcore_parallel>], iteration_bounds = array<i64: 2, 16>, scalar_prefetch = 0 : i64, scratch_operands = 10 : i64, tpu.core_type = #tpu.core_type<sc_vector_subcore>, window_params = [{transform_indices = #map}, {transform_indices = #map}, {transform_indices = #map1}, {transform_indices = #map}]} {
    %mul3A = arith.constant 632 : i32
    %mul3A_0 = arith.muli %arg1, %mul3A : i32
    "tpu.region"() ({
      %run_scoped3A = tpu.sem_alloc : memref<!tpu.dma_semaphore, #tpu.memory_space<semaphore_mem>>
      %dma_start3A_101 = arith.constant 0 : i32
      %dma_start3A_102 = arith.constant 0 : i32
      %dma_start3A_103 = tpu.memref_slice %arg2[%arg1, %dma_start3A_101, %dma_start3A_102] : memref<16x80x256xi32, #tpu.memory_space<hbm>> -> memref<1x80x256xi32, #tpu.memory_space<hbm>>
      %dma_start3A_104 = tpu.memref_squeeze %dma_start3A_103 : memref<1x80x256xi32, #tpu.memory_space<hbm>> -> memref<80x256xi32, #tpu.memory_space<hbm>>
      %dma_start3A_105 = arith.constant 0 : i32
      %dma_start3A_106 = arith.constant 0 : i32
      %dma_start3A_107 = tpu.memref_slice %arg2[%arg1, %dma_start3A_105, %dma_start3A_106] : memref<16x80x256xi32, #tpu.memory_space<hbm>> -> memref<1x80x256xi32, #tpu.memory_space<hbm>>
      %dma_start3A_108 = tpu.memref_squeeze %dma_start3A_107 : memref<1x80x256xi32, #tpu.memory_space<hbm>> -> memref<80x256xi32, #tpu.memory_space<hbm>>
      tpu.enqueue_dma source(%dma_start3A_108 : memref<80x256xi32, #tpu.memory_space<hbm>>) target(%arg6 : memref<80x256xi32, #tpu.memory_space<vmem>>) target_semaphore(%run_scoped3A : memref<!tpu.dma_semaphore, #tpu.memory_space<semaphore_mem>>)
      %dma_wait3A = arith.constant 0 : i32
      %dma_wait3A_109 = arith.constant 0 : i32
      %dma_wait3A_110 = tpu.memref_slice %arg2[%arg1, %dma_wait3A, %dma_wait3A_109] : memref<16x80x256xi32, #tpu.memory_space<hbm>> -> memref<1x80x256xi32, #tpu.memory_space<hbm>>
      %dma_wait3A_111 = tpu.memref_squeeze %dma_wait3A_110 : memref<1x80x256xi32, #tpu.memory_space<hbm>> -> memref<80x256xi32, #tpu.memory_space<hbm>>
      %dma_wait3A_112 = arith.constant 0 : i32
      %dma_wait3A_113 = arith.constant 0 : i32
      %dma_wait3A_114 = tpu.memref_slice %arg2[%arg1, %dma_wait3A_112, %dma_wait3A_113] : memref<16x80x256xi32, #tpu.memory_space<hbm>> -> memref<1x80x256xi32, #tpu.memory_space<hbm>>
      %dma_wait3A_115 = tpu.memref_squeeze %dma_wait3A_114 : memref<1x80x256xi32, #tpu.memory_space<hbm>> -> memref<80x256xi32, #tpu.memory_space<hbm>>
      tpu.wait_dma2 semaphore(%run_scoped3A : memref<!tpu.dma_semaphore, #tpu.memory_space<semaphore_mem>>) src(%dma_wait3A_115 : memref<80x256xi32, #tpu.memory_space<hbm>>) dst(%arg6 : memref<80x256xi32, #tpu.memory_space<vmem>>)
      tpu.yield
    }) : () -> ()
    "tpu.region"() ({
      %run_scoped3A = tpu.sem_alloc : memref<!tpu.dma_semaphore, #tpu.memory_space<semaphore_mem>>
      %dma_start3A_101 = arith.constant 0 : i32
      %dma_start3A_102 = arith.constant 0 : i32
      %dma_start3A_103 = tpu.memref_slice %arg3[%arg1, %dma_start3A_101, %dma_start3A_102] : memref<16x80x256xi32, #tpu.memory_space<hbm>> -> memref<1x80x256xi32, #tpu.memory_space<hbm>>
      %dma_start3A_104 = tpu.memref_squeeze %dma_start3A_103 : memref<1x80x256xi32, #tpu.memory_space<hbm>> -> memref<80x256xi32, #tpu.memory_space<hbm>>
      %dma_start3A_105 = arith.constant 0 : i32
      %dma_start3A_106 = arith.constant 0 : i32
      %dma_start3A_107 = tpu.memref_slice %arg3[%arg1, %dma_start3A_105, %dma_start3A_106] : memref<16x80x256xi32, #tpu.memory_space<hbm>> -> memref<1x80x256xi32, #tpu.memory_space<hbm>>
      %dma_start3A_108 = tpu.memref_squeeze %dma_start3A_107 : memref<1x80x256xi32, #tpu.memory_space<hbm>> -> memref<80x256xi32, #tpu.memory_space<hbm>>
      tpu.enqueue_dma source(%dma_start3A_108 : memref<80x256xi32, #tpu.memory_space<hbm>>) target(%arg7 : memref<80x256xi32, #tpu.memory_space<vmem>>) target_semaphore(%run_scoped3A : memref<!tpu.dma_semaphore, #tpu.memory_space<semaphore_mem>>)
      %dma_wait3A = arith.constant 0 : i32
      %dma_wait3A_109 = arith.constant 0 : i32
      %dma_wait3A_110 = tpu.memref_slice %arg3[%arg1, %dma_wait3A, %dma_wait3A_109] : memref<16x80x256xi32, #tpu.memory_space<hbm>> -> memref<1x80x256xi32, #tpu.memory_space<hbm>>
      %dma_wait3A_111 = tpu.memref_squeeze %dma_wait3A_110 : memref<1x80x256xi32, #tpu.memory_space<hbm>> -> memref<80x256xi32, #tpu.memory_space<hbm>>
      %dma_wait3A_112 = arith.constant 0 : i32
      %dma_wait3A_113 = arith.constant 0 : i32
      %dma_wait3A_114 = tpu.memref_slice %arg3[%arg1, %dma_wait3A_112, %dma_wait3A_113] : memref<16x80x256xi32, #tpu.memory_space<hbm>> -> memref<1x80x256xi32, #tpu.memory_space<hbm>>
      %dma_wait3A_115 = tpu.memref_squeeze %dma_wait3A_114 : memref<1x80x256xi32, #tpu.memory_space<hbm>> -> memref<80x256xi32, #tpu.memory_space<hbm>>
      tpu.wait_dma2 semaphore(%run_scoped3A : memref<!tpu.dma_semaphore, #tpu.memory_space<semaphore_mem>>) src(%dma_wait3A_115 : memref<80x256xi32, #tpu.memory_space<hbm>>) dst(%arg7 : memref<80x256xi32, #tpu.memory_space<vmem>>)
      tpu.yield
    }) : () -> ()
    %scan3A = arith.constant 0 : i32
    %scan3A_1 = arith.constant 0 : i32
    %scan3A_2 = arith.constant 128 : i32
    %scan3A_3 = arith.addi %scan3A_1, %scan3A_2 : i32
    %scan3A_4 = arith.constant 1 : i32
    scf.for %scan3A_101 = %scan3A_1 to %scan3A_3 step %scan3A_4  : i32 {
      %scan3A_102 = arith.constant 0 : i32
      %scan3A_103 = arith.constant 2 : i32
      %scan3A_104 = arith.addi %scan3A_102, %scan3A_103 : i32
      %scan3A_105 = arith.constant 1 : i32
      scf.for %scan3A_107 = %scan3A_102 to %scan3A_104 step %scan3A_105  : i32 {
        %broadcast_in_dim3A = arith.constant 0.000000e+00 : f32
        %broadcast_in_dim3A_108 = vector.broadcast %broadcast_in_dim3A : f32 to vector<16xf32>
        %mul3A_109 = arith.constant 16 : i32
        %mul3A_110 = arith.muli %scan3A_107, %mul3A_109 : i32
        %swap3A = arith.index_cast %scan3A_101 : i32 to index
        %swap3A_111 = arith.index_cast %mul3A_110 : i32 to index
        %swap3A_112 = tpu.vector_load %arg9[%swap3A, %swap3A_111] {strides = array<i32>} : memref<128x32xf32, #tpu.memory_space<vmem>>, vector<1x16xf32>,
        %swap3A_113 = vector.shape_cast %swap3A_112 : vector<1x16xf32> to vector<16xf32>
        %swap3A_114 = vector.shape_cast %broadcast_in_dim3A_108 : vector<16xf32> to vector<1x16xf32>
        tpu.vector_store %arg9[%swap3A, %swap3A_111], %swap3A_114 {strides = array<i32>} : memref<128x32xf32, #tpu.memory_space<vmem>>, vector<1x16xf32>,
      }
      %scan3A_106 = arith.constant 2 : i32
    }
    %scan3A_5 = arith.constant 128 : i32
    %mul3A_6 = arith.constant 2 : i32
    %mul3A_7 = arith.muli %arg0, %mul3A_6 : i32
    %add3A = arith.constant 0 : i32
    %add3A_8 = arith.addi %mul3A_7, %add3A : i32
    %mul3A_9 = arith.constant 10112 : i32
    %mul3A_10 = arith.muli %add3A_8, %mul3A_9 : i32
    %add3A_11 = arith.addi %mul3A_10, %mul3A_0 : i32
    "tpu.region"() ({
      %run_scoped3A = tpu.sem_alloc : memref<!tpu.dma_semaphore, #tpu.memory_space<semaphore_mem>>
      %dma_start3A_101 = arith.constant 0 : i32
      %dma_start3A_102 = tpu.memref_slice %arg11[%mul3A_0, %dma_start3A_101] : memref<10112x32xf32, #tpu.memory_space<vmem_shared>> -> memref<632x32xf32, #tpu.memory_space<vmem_shared>>
      %dma_start3A_103 = arith.constant 0 : i32
      %dma_start3A_104 = tpu.memref_slice %arg4[%add3A_11, %dma_start3A_103] : memref<40448x32xf32, #tpu.memory_space<hbm>> -> memref<632x32xf32, #tpu.memory_space<hbm>>
      tpu.enqueue_dma source(%dma_start3A_104 : memref<632x32xf32, #tpu.memory_space<hbm>>) target(%dma_start3A_102 : memref<632x32xf32, #tpu.memory_space<vmem_shared>>) target_semaphore(%run_scoped3A : memref<!tpu.dma_semaphore, #tpu.memory_space<semaphore_mem>>)
      %dma_wait3A = arith.constant 0 : i32
      %dma_wait3A_105 = tpu.memref_slice %arg11[%mul3A_0, %dma_wait3A] : memref<10112x32xf32, #tpu.memory_space<vmem_shared>> -> memref<632x32xf32, #tpu.memory_space<vmem_shared>>
      %dma_wait3A_106 = arith.constant 0 : i32
      %dma_wait3A_107 = tpu.memref_slice %arg4[%add3A_11, %dma_wait3A_106] : memref<40448x32xf32, #tpu.memory_space<hbm>> -> memref<632x32xf32, #tpu.memory_space<hbm>>
      tpu.wait_dma2 semaphore(%run_scoped3A : memref<!tpu.dma_semaphore, #tpu.memory_space<semaphore_mem>>) src(%dma_wait3A_107 : memref<632x32xf32, #tpu.memory_space<hbm>>) dst(%dma_wait3A_105 : memref<632x32xf32, #tpu.memory_space<vmem_shared>>)
      tpu.yield
    }) : () -> ()
    %add3A_12 = arith.constant 0 : i32
    %add3A_13 = arith.addi %mul3A_0, %add3A_12 : i32
    "tpu.region"() ({
      %run_scoped3A = tpu.sem_alloc : memref<!tpu.dma_semaphore, #tpu.memory_space<semaphore_mem>>
      %dma_start3A_101 = arith.constant 0 : i32
      %dma_start3A_102 = tpu.memref_slice %arg10[%add3A_13, %dma_start3A_101] : memref<10112x32xf32, #tpu.memory_space<vmem_shared>> -> memref<128x32xf32, #tpu.memory_space<vmem_shared>>
      %dma_start3A_103 = arith.constant 0 : i32
      %dma_start3A_104 = tpu.memref_slice %arg10[%add3A_13, %dma_start3A_103] : memref<10112x32xf32, #tpu.memory_space<vmem_shared>> -> memref<128x32xf32, #tpu.memory_space<vmem_shared>>
      tpu.enqueue_dma source(%arg9 : memref<128x32xf32, #tpu.memory_space<vmem>>) target(%dma_start3A_104 : memref<128x32xf32, #tpu.memory_space<vmem_shared>>) target_semaphore(%run_scoped3A : memref<!tpu.dma_semaphore, #tpu.memory_space<semaphore_mem>>)
      %dma_wait3A = arith.constant 0 : i32
      %dma_wait3A_105 = tpu.memref_slice %arg10[%add3A_13, %dma_wait3A] : memref<10112x32xf32, #tpu.memory_space<vmem_shared>> -> memref<128x32xf32, #tpu.memory_space<vmem_shared>>
      %dma_wait3A_106 = arith.constant 0 : i32
      %dma_wait3A_107 = tpu.memref_slice %arg10[%add3A_13, %dma_wait3A_106] : memref<10112x32xf32, #tpu.memory_space<vmem_shared>> -> memref<128x32xf32, #tpu.memory_space<vmem_shared>>
      tpu.wait_dma2 semaphore(%run_scoped3A : memref<!tpu.dma_semaphore, #tpu.memory_space<semaphore_mem>>) src(%arg9 : memref<128x32xf32, #tpu.memory_space<vmem>>) dst(%dma_wait3A_107 : memref<128x32xf32, #tpu.memory_space<vmem_shared>>)
      tpu.yield
    }) : () -> ()
    %add3A_14 = arith.constant 128 : i32
    %add3A_15 = arith.addi %mul3A_0, %add3A_14 : i32
    "tpu.region"() ({
      %run_scoped3A = tpu.sem_alloc : memref<!tpu.dma_semaphore, #tpu.memory_space<semaphore_mem>>
      %dma_start3A_101 = arith.constant 0 : i32
      %dma_start3A_102 = tpu.memref_slice %arg10[%add3A_15, %dma_start3A_101] : memref<10112x32xf32, #tpu.memory_space<vmem_shared>> -> memref<128x32xf32, #tpu.memory_space<vmem_shared>>
      %dma_start3A_103 = arith.constant 0 : i32
      %dma_start3A_104 = tpu.memref_slice %arg10[%add3A_15, %dma_start3A_103] : memref<10112x32xf32, #tpu.memory_space<vmem_shared>> -> memref<128x32xf32, #tpu.memory_space<vmem_shared>>
      tpu.enqueue_dma source(%arg9 : memref<128x32xf32, #tpu.memory_space<vmem>>) target(%dma_start3A_104 : memref<128x32xf32, #tpu.memory_space<vmem_shared>>) target_semaphore(%run_scoped3A : memref<!tpu.dma_semaphore, #tpu.memory_space<semaphore_mem>>)
      %dma_wait3A = arith.constant 0 : i32
      %dma_wait3A_105 = tpu.memref_slice %arg10[%add3A_15, %dma_wait3A] : memref<10112x32xf32, #tpu.memory_space<vmem_shared>> -> memref<128x32xf32, #tpu.memory_space<vmem_shared>>
      %dma_wait3A_106 = arith.constant 0 : i32
      %dma_wait3A_107 = tpu.memref_slice %arg10[%add3A_15, %dma_wait3A_106] : memref<10112x32xf32, #tpu.memory_space<vmem_shared>> -> memref<128x32xf32, #tpu.memory_space<vmem_shared>>
      tpu.wait_dma2 semaphore(%run_scoped3A : memref<!tpu.dma_semaphore, #tpu.memory_space<semaphore_mem>>) src(%arg9 : memref<128x32xf32, #tpu.memory_space<vmem>>) dst(%dma_wait3A_107 : memref<128x32xf32, #tpu.memory_space<vmem_shared>>)
      tpu.yield
    }) : () -> ()
    %add3A_16 = arith.constant 256 : i32
    %add3A_17 = arith.addi %mul3A_0, %add3A_16 : i32
    "tpu.region"() ({
      %run_scoped3A = tpu.sem_alloc : memref<!tpu.dma_semaphore, #tpu.memory_space<semaphore_mem>>
      %dma_start3A_101 = arith.constant 0 : i32
      %dma_start3A_102 = tpu.memref_slice %arg10[%add3A_17, %dma_start3A_101] : memref<10112x32xf32, #tpu.memory_space<vmem_shared>> -> memref<128x32xf32, #tpu.memory_space<vmem_shared>>
      %dma_start3A_103 = arith.constant 0 : i32
      %dma_start3A_104 = tpu.memref_slice %arg10[%add3A_17, %dma_start3A_103] : memref<10112x32xf32, #tpu.memory_space<vmem_shared>> -> memref<128x32xf32, #tpu.memory_space<vmem_shared>>
      tpu.enqueue_dma source(%arg9 : memref<128x32xf32, #tpu.memory_space<vmem>>) target(%dma_start3A_104 : memref<128x32xf32, #tpu.memory_space<vmem_shared>>) target_semaphore(%run_scoped3A : memref<!tpu.dma_semaphore, #tpu.memory_space<semaphore_mem>>)
      %dma_wait3A = arith.constant 0 : i32
      %dma_wait3A_105 = tpu.memref_slice %arg10[%add3A_17, %dma_wait3A] : memref<10112x32xf32, #tpu.memory_space<vmem_shared>> -> memref<128x32xf32, #tpu.memory_space<vmem_shared>>
      %dma_wait3A_106 = arith.constant 0 : i32
      %dma_wait3A_107 = tpu.memref_slice %arg10[%add3A_17, %dma_wait3A_106] : memref<10112x32xf32, #tpu.memory_space<vmem_shared>> -> memref<128x32xf32, #tpu.memory_space<vmem_shared>>
      tpu.wait_dma2 semaphore(%run_scoped3A : memref<!tpu.dma_semaphore, #tpu.memory_space<semaphore_mem>>) src(%arg9 : memref<128x32xf32, #tpu.memory_space<vmem>>) dst(%dma_wait3A_107 : memref<128x32xf32, #tpu.memory_space<vmem_shared>>)
      tpu.yield
    }) : () -> ()
    %add3A_18 = arith.constant 384 : i32
    %add3A_19 = arith.addi %mul3A_0, %add3A_18 : i32
    "tpu.region"() ({
      %run_scoped3A = tpu.sem_alloc : memref<!tpu.dma_semaphore, #tpu.memory_space<semaphore_mem>>
      %dma_start3A_101 = arith.constant 0 : i32
      %dma_start3A_102 = tpu.memref_slice %arg10[%add3A_19, %dma_start3A_101] : memref<10112x32xf32, #tpu.memory_space<vmem_shared>> -> memref<128x32xf32, #tpu.memory_space<vmem_shared>>
      %dma_start3A_103 = arith.constant 0 : i32
      %dma_start3A_104 = tpu.memref_slice %arg10[%add3A_19, %dma_start3A_103] : memref<10112x32xf32, #tpu.memory_space<vmem_shared>> -> memref<128x32xf32, #tpu.memory_space<vmem_shared>>
      tpu.enqueue_dma source(%arg9 : memref<128x32xf32, #tpu.memory_space<vmem>>) target(%dma_start3A_104 : memref<128x32xf32, #tpu.memory_space<vmem_shared>>) target_semaphore(%run_scoped3A : memref<!tpu.dma_semaphore, #tpu.memory_space<semaphore_mem>>)
      %dma_wait3A = arith.constant 0 : i32
      %dma_wait3A_105 = tpu.memref_slice %arg10[%add3A_19, %dma_wait3A] : memref<10112x32xf32, #tpu.memory_space<vmem_shared>> -> memref<128x32xf32, #tpu.memory_space<vmem_shared>>
      %dma_wait3A_106 = arith.constant 0 : i32
      %dma_wait3A_107 = tpu.memref_slice %arg10[%add3A_19, %dma_wait3A_106] : memref<10112x32xf32, #tpu.memory_space<vmem_shared>> -> memref<128x32xf32, #tpu.memory_space<vmem_shared>>
      tpu.wait_dma2 semaphore(%run_scoped3A : memref<!tpu.dma_semaphore, #tpu.memory_space<semaphore_mem>>) src(%arg9 : memref<128x32xf32, #tpu.memory_space<vmem>>) dst(%dma_wait3A_107 : memref<128x32xf32, #tpu.memory_space<vmem_shared>>)
      tpu.yield
    }) : () -> ()
    %add3A_20 = arith.constant 512 : i32
    %add3A_21 = arith.addi %mul3A_0, %add3A_20 : i32
    "tpu.region"() ({
      %run_scoped3A = tpu.sem_alloc : memref<!tpu.dma_semaphore, #tpu.memory_space<semaphore_mem>>
      %dma_start3A_101 = arith.constant 0 : i32
      %dma_start3A_102 = arith.constant 0 : i32
      %dma_start3A_103 = tpu.memref_slice %arg9[%dma_start3A_101, %dma_start3A_102] : memref<128x32xf32, #tpu.memory_space<vmem>> -> memref<120x32xf32, #tpu.memory_space<vmem>>
      %dma_start3A_104 = arith.constant 0 : i32
      %dma_start3A_105 = tpu.memref_slice %arg10[%add3A_21, %dma_start3A_104] : memref<10112x32xf32, #tpu.memory_space<vmem_shared>> -> memref<120x32xf32, #tpu.memory_space<vmem_shared>>
      %dma_start3A_106 = arith.constant 0 : i32
      %dma_start3A_107 = tpu.memref_slice %arg10[%add3A_21, %dma_start3A_106] : memref<10112x32xf32, #tpu.memory_space<vmem_shared>> -> memref<120x32xf32, #tpu.memory_space<vmem_shared>>
      %dma_start3A_108 = arith.constant 0 : i32
      %dma_start3A_109 = arith.constant 0 : i32
      %dma_start3A_110 = tpu.memref_slice %arg9[%dma_start3A_108, %dma_start3A_109] : memref<128x32xf32, #tpu.memory_space<vmem>> -> memref<120x32xf32, #tpu.memory_space<vmem>>
      tpu.enqueue_dma source(%dma_start3A_110 : memref<120x32xf32, #tpu.memory_space<vmem>>) target(%dma_start3A_107 : memref<120x32xf32, #tpu.memory_space<vmem_shared>>) target_semaphore(%run_scoped3A : memref<!tpu.dma_semaphore, #tpu.memory_space<semaphore_mem>>)
      %dma_wait3A = arith.constant 0 : i32
      %dma_wait3A_111 = arith.constant 0 : i32
      %dma_wait3A_112 = tpu.memref_slice %arg9[%dma_wait3A, %dma_wait3A_111] : memref<128x32xf32, #tpu.memory_space<vmem>> -> memref<120x32xf32, #tpu.memory_space<vmem>>
      %dma_wait3A_113 = arith.constant 0 : i32
      %dma_wait3A_114 = tpu.memref_slice %arg10[%add3A_21, %dma_wait3A_113] : memref<10112x32xf32, #tpu.memory_space<vmem_shared>> -> memref<120x32xf32, #tpu.memory_space<vmem_shared>>
      %dma_wait3A_115 = arith.constant 0 : i32
      %dma_wait3A_116 = tpu.memref_slice %arg10[%add3A_21, %dma_wait3A_115] : memref<10112x32xf32, #tpu.memory_space<vmem_shared>> -> memref<120x32xf32, #tpu.memory_space<vmem_shared>>
      %dma_wait3A_117 = arith.constant 0 : i32
      %dma_wait3A_118 = arith.constant 0 : i32
      %dma_wait3A_119 = tpu.memref_slice %arg9[%dma_wait3A_117, %dma_wait3A_118] : memref<128x32xf32, #tpu.memory_space<vmem>> -> memref<120x32xf32, #tpu.memory_space<vmem>>
      tpu.wait_dma2 semaphore(%run_scoped3A : memref<!tpu.dma_semaphore, #tpu.memory_space<semaphore_mem>>) src(%dma_wait3A_119 : memref<120x32xf32, #tpu.memory_space<vmem>>) dst(%dma_wait3A_116 : memref<120x32xf32, #tpu.memory_space<vmem_shared>>)
      tpu.yield
    }) : () -> ()
    %barrier3A = arith.constant 0 : index
    tpu.barrier barrier_id(%barrier3A)
    %dma_start3A = arith.constant 0 : i32
    %dma_start3A_22 = arith.constant 0 : i32
    %dma_start3A_23 = arith.constant 0 : i32
    %dma_start3A_24 = arith.constant 0 : i32
    %dma_start3A_25 = tpu.memref_slice %arg8[%dma_start3A_22, %dma_start3A_23, %dma_start3A_24] : memref<2x256x32xf32, #tpu.memory_space<vmem>> -> memref<1x256x32xf32, #tpu.memory_space<vmem>>
    %dma_start3A_26 = tpu.memref_squeeze %dma_start3A_25 : memref<1x256x32xf32, #tpu.memory_space<vmem>> -> memref<256x32xf32, #tpu.memory_space<vmem>>
    %dma_start3A_27 = arith.constant 0 : i32
    %dma_start3A_28 = tpu.memref_slice %arg6[%dma_start3A, %dma_start3A_27] : memref<80x256xi32, #tpu.memory_space<vmem>> -> memref<1x256xi32, #tpu.memory_space<vmem>>
    %dma_start3A_29 = tpu.memref_squeeze %dma_start3A_28 : memref<1x256xi32, #tpu.memory_space<vmem>> -> memref<256xi32, #tpu.memory_space<vmem>>
    %dma_start3A_30 = arith.constant 0 : i32
    %dma_start3A_31 = arith.constant 0 : i32
    %dma_start3A_32 = tpu.memref_slice %arg11[%dma_start3A_30, %dma_start3A_31] : memref<10112x32xf32, #tpu.memory_space<vmem_shared>> -> memref<10112x32xf32, #tpu.memory_space<vmem_shared>>
    tpu.enqueue_indirect_dma source(%dma_start3A_32 : memref<10112x32xf32, #tpu.memory_space<vmem_shared>>) target(%dma_start3A_26 : memref<256x32xf32, #tpu.memory_space<vmem>>) offsets(%dma_start3A_29 : memref<256xi32, #tpu.memory_space<vmem>>) semaphore(%arg12 : memref<!tpu.dma_semaphore, #tpu.memory_space<semaphore_mem>>)
    %dma_start3A_33 = arith.constant 1 : i32
    %dma_start3A_34 = arith.constant 1 : i32
    %dma_start3A_35 = arith.constant 0 : i32
    %dma_start3A_36 = arith.constant 0 : i32
    %dma_start3A_37 = tpu.memref_slice %arg8[%dma_start3A_34, %dma_start3A_35, %dma_start3A_36] : memref<2x256x32xf32, #tpu.memory_space<vmem>> -> memref<1x256x32xf32, #tpu.memory_space<vmem>>
    %dma_start3A_38 = tpu.memref_squeeze %dma_start3A_37 : memref<1x256x32xf32, #tpu.memory_space<vmem>> -> memref<256x32xf32, #tpu.memory_space<vmem>>
    %dma_start3A_39 = arith.constant 0 : i32
    %dma_start3A_40 = tpu.memref_slice %arg6[%dma_start3A_33, %dma_start3A_39] : memref<80x256xi32, #tpu.memory_space<vmem>> -> memref<1x256xi32, #tpu.memory_space<vmem>>
    %dma_start3A_41 = tpu.memref_squeeze %dma_start3A_40 : memref<1x256xi32, #tpu.memory_space<vmem>> -> memref<256xi32, #tpu.memory_space<vmem>>
    %dma_start3A_42 = arith.constant 0 : i32
    %dma_start3A_43 = arith.constant 0 : i32
    %dma_start3A_44 = tpu.memref_slice %arg11[%dma_start3A_42, %dma_start3A_43] : memref<10112x32xf32, #tpu.memory_space<vmem_shared>> -> memref<10112x32xf32, #tpu.memory_space<vmem_shared>>
    tpu.enqueue_indirect_dma source(%dma_start3A_44 : memref<10112x32xf32, #tpu.memory_space<vmem_shared>>) target(%dma_start3A_38 : memref<256x32xf32, #tpu.memory_space<vmem>>) offsets(%dma_start3A_41 : memref<256xi32, #tpu.memory_space<vmem>>) semaphore(%arg13 : memref<!tpu.dma_semaphore, #tpu.memory_space<semaphore_mem>>)
    %scan3A_45 = arith.constant 0 : i32
    %scan3A_46 = arith.constant 0 : i32
    %scan3A_47 = arith.constant 40 : i32
    %scan3A_48 = arith.addi %scan3A_46, %scan3A_47 : i32
    %scan3A_49 = arith.constant 1 : i32
    scf.for %scan3A_101 = %scan3A_46 to %scan3A_48 step %scan3A_49  : i32 {
      %mul3A_102 = arith.constant 2 : i32
      %mul3A_103 = arith.muli %scan3A_101, %mul3A_102 : i32
      %add3A_104 = arith.constant 0 : i32
      %add3A_105 = arith.addi %mul3A_103, %add3A_104 : i32
      %dma_wait3A = arith.constant 0 : i32
      %dma_wait3A_106 = arith.constant 0 : i32
      %dma_wait3A_107 = arith.constant 0 : i32
      %dma_wait3A_108 = tpu.memref_slice %arg8[%dma_wait3A, %dma_wait3A_106, %dma_wait3A_107] : memref<2x256x32xf32, #tpu.memory_space<vmem>> -> memref<1x256x32xf32, #tpu.memory_space<vmem>>
      %dma_wait3A_109 = tpu.memref_squeeze %dma_wait3A_108 : memref<1x256x32xf32, #tpu.memory_space<vmem>> -> memref<256x32xf32, #tpu.memory_space<vmem>>
      %dma_wait3A_110 = arith.constant 0 : i32
      %dma_wait3A_111 = tpu.memref_slice %arg6[%add3A_105, %dma_wait3A_110] : memref<80x256xi32, #tpu.memory_space<vmem>> -> memref<1x256xi32, #tpu.memory_space<vmem>>
      %dma_wait3A_112 = tpu.memref_squeeze %dma_wait3A_111 : memref<1x256xi32, #tpu.memory_space<vmem>> -> memref<256xi32, #tpu.memory_space<vmem>>
      %dma_wait3A_113 = arith.constant 0 : i32
      %dma_wait3A_114 = arith.constant 0 : i32
      %dma_wait3A_115 = tpu.memref_slice %arg11[%dma_wait3A_113, %dma_wait3A_114] : memref<10112x32xf32, #tpu.memory_space<vmem_shared>> -> memref<10112x32xf32, #tpu.memory_space<vmem_shared>>
      tpu.wait_indirect_dma semaphore(%arg12 : memref<!tpu.dma_semaphore, #tpu.memory_space<semaphore_mem>>) src(%dma_wait3A_115 : memref<10112x32xf32, #tpu.memory_space<vmem_shared>>) dst(%dma_wait3A_109 : memref<256x32xf32, #tpu.memory_space<vmem>>)
      %add3A_116 = arith.constant 0 : i32
      %add3A_117 = arith.addi %mul3A_103, %add3A_116 : i32
      %dma_start3A_118 = arith.constant 0 : i32
      %dma_start3A_119 = arith.constant 0 : i32
      %dma_start3A_120 = arith.constant 0 : i32
      %dma_start3A_121 = tpu.memref_slice %arg8[%dma_start3A_118, %dma_start3A_119, %dma_start3A_120] : memref<2x256x32xf32, #tpu.memory_space<vmem>> -> memref<1x256x32xf32, #tpu.memory_space<vmem>>
      %dma_start3A_122 = tpu.memref_squeeze %dma_start3A_121 : memref<1x256x32xf32, #tpu.memory_space<vmem>> -> memref<256x32xf32, #tpu.memory_space<vmem>>
      %dma_start3A_123 = arith.constant 0 : i32
      %dma_start3A_124 = tpu.memref_slice %arg7[%add3A_117, %dma_start3A_123] : memref<80x256xi32, #tpu.memory_space<vmem>> -> memref<1x256xi32, #tpu.memory_space<vmem>>
      %dma_start3A_125 = tpu.memref_squeeze %dma_start3A_124 : memref<1x256xi32, #tpu.memory_space<vmem>> -> memref<256xi32, #tpu.memory_space<vmem>>
      %dma_start3A_126 = arith.constant 0 : i32
      %dma_start3A_127 = arith.constant 0 : i32
      %dma_start3A_128 = tpu.memref_slice %arg10[%dma_start3A_126, %dma_start3A_127] : memref<10112x32xf32, #tpu.memory_space<vmem_shared>> -> memref<10112x32xf32, #tpu.memory_space<vmem_shared>>
      tpu.enqueue_indirect_dma source(%dma_start3A_122 : memref<256x32xf32, #tpu.memory_space<vmem>>) target(%dma_start3A_128 : memref<10112x32xf32, #tpu.memory_space<vmem_shared>>) offsets(%dma_start3A_125 : memref<256xi32, #tpu.memory_space<vmem>>) semaphore(%arg14 : memref<!tpu.dma_semaphore, #tpu.memory_space<semaphore_mem>>) {add = true}
      %add3A_129 = arith.constant 1 : i32
      %add3A_130 = arith.addi %mul3A_103, %add3A_129 : i32
      %dma_wait3A_131 = arith.constant 1 : i32
      %dma_wait3A_132 = arith.constant 0 : i32
      %dma_wait3A_133 = arith.constant 0 : i32
      %dma_wait3A_134 = tpu.memref_slice %arg8[%dma_wait3A_131, %dma_wait3A_132, %dma_wait3A_133] : memref<2x256x32xf32, #tpu.memory_space<vmem>> -> memref<1x256x32xf32, #tpu.memory_space<vmem>>
      %dma_wait3A_135 = tpu.memref_squeeze %dma_wait3A_134 : memref<1x256x32xf32, #tpu.memory_space<vmem>> -> memref<256x32xf32, #tpu.memory_space<vmem>>
      %dma_wait3A_136 = arith.constant 0 : i32
      %dma_wait3A_137 = tpu.memref_slice %arg6[%add3A_130, %dma_wait3A_136] : memref<80x256xi32, #tpu.memory_space<vmem>> -> memref<1x256xi32, #tpu.memory_space<vmem>>
      %dma_wait3A_138 = tpu.memref_squeeze %dma_wait3A_137 : memref<1x256xi32, #tpu.memory_space<vmem>> -> memref<256xi32, #tpu.memory_space<vmem>>
      %dma_wait3A_139 = arith.constant 0 : i32
      %dma_wait3A_140 = arith.constant 0 : i32
      %dma_wait3A_141 = tpu.memref_slice %arg11[%dma_wait3A_139, %dma_wait3A_140] : memref<10112x32xf32, #tpu.memory_space<vmem_shared>> -> memref<10112x32xf32, #tpu.memory_space<vmem_shared>>
      tpu.wait_indirect_dma semaphore(%arg13 : memref<!tpu.dma_semaphore, #tpu.memory_space<semaphore_mem>>) src(%dma_wait3A_141 : memref<10112x32xf32, #tpu.memory_space<vmem_shared>>) dst(%dma_wait3A_135 : memref<256x32xf32, #tpu.memory_space<vmem>>)
      %add3A_142 = arith.constant 1 : i32
      %add3A_143 = arith.addi %mul3A_103, %add3A_142 : i32
      %dma_start3A_144 = arith.constant 1 : i32
      %dma_start3A_145 = arith.constant 0 : i32
      %dma_start3A_146 = arith.constant 0 : i32
      %dma_start3A_147 = tpu.memref_slice %arg8[%dma_start3A_144, %dma_start3A_145, %dma_start3A_146] : memref<2x256x32xf32, #tpu.memory_space<vmem>> -> memref<1x256x32xf32, #tpu.memory_space<vmem>>
      %dma_start3A_148 = tpu.memref_squeeze %dma_start3A_147 : memref<1x256x32xf32, #tpu.memory_space<vmem>> -> memref<256x32xf32, #tpu.memory_space<vmem>>
      %dma_start3A_149 = arith.constant 0 : i32
      %dma_start3A_150 = tpu.memref_slice %arg7[%add3A_143, %dma_start3A_149] : memref<80x256xi32, #tpu.memory_space<vmem>> -> memref<1x256xi32, #tpu.memory_space<vmem>>
      %dma_start3A_151 = tpu.memref_squeeze %dma_start3A_150 : memref<1x256xi32, #tpu.memory_space<vmem>> -> memref<256xi32, #tpu.memory_space<vmem>>
      %dma_start3A_152 = arith.constant 0 : i32
      %dma_start3A_153 = arith.constant 0 : i32
      %dma_start3A_154 = tpu.memref_slice %arg10[%dma_start3A_152, %dma_start3A_153] : memref<10112x32xf32, #tpu.memory_space<vmem_shared>> -> memref<10112x32xf32, #tpu.memory_space<vmem_shared>>
      tpu.enqueue_indirect_dma source(%dma_start3A_148 : memref<256x32xf32, #tpu.memory_space<vmem>>) target(%dma_start3A_154 : memref<10112x32xf32, #tpu.memory_space<vmem_shared>>) offsets(%dma_start3A_151 : memref<256xi32, #tpu.memory_space<vmem>>) semaphore(%arg15 : memref<!tpu.dma_semaphore, #tpu.memory_space<semaphore_mem>>) {add = true}
      %add3A_155 = arith.constant 0 : i32
      %add3A_156 = arith.addi %mul3A_103, %add3A_155 : i32
      %dma_wait3A_157 = arith.constant 0 : i32
      %dma_wait3A_158 = arith.constant 0 : i32
      %dma_wait3A_159 = arith.constant 0 : i32
      %dma_wait3A_160 = tpu.memref_slice %arg8[%dma_wait3A_157, %dma_wait3A_158, %dma_wait3A_159] : memref<2x256x32xf32, #tpu.memory_space<vmem>> -> memref<1x256x32xf32, #tpu.memory_space<vmem>>
      %dma_wait3A_161 = tpu.memref_squeeze %dma_wait3A_160 : memref<1x256x32xf32, #tpu.memory_space<vmem>> -> memref<256x32xf32, #tpu.memory_space<vmem>>
      %dma_wait3A_162 = arith.constant 0 : i32
      %dma_wait3A_163 = tpu.memref_slice %arg7[%add3A_156, %dma_wait3A_162] : memref<80x256xi32, #tpu.memory_space<vmem>> -> memref<1x256xi32, #tpu.memory_space<vmem>>
      %dma_wait3A_164 = tpu.memref_squeeze %dma_wait3A_163 : memref<1x256xi32, #tpu.memory_space<vmem>> -> memref<256xi32, #tpu.memory_space<vmem>>
      %dma_wait3A_165 = arith.constant 0 : i32
      %dma_wait3A_166 = arith.constant 0 : i32
      %dma_wait3A_167 = tpu.memref_slice %arg10[%dma_wait3A_165, %dma_wait3A_166] : memref<10112x32xf32, #tpu.memory_space<vmem_shared>> -> memref<10112x32xf32, #tpu.memory_space<vmem_shared>>
      tpu.wait_indirect_dma semaphore(%arg14 : memref<!tpu.dma_semaphore, #tpu.memory_space<semaphore_mem>>) src(%dma_wait3A_161 : memref<256x32xf32, #tpu.memory_space<vmem>>) dst(%dma_wait3A_167 : memref<10112x32xf32, #tpu.memory_space<vmem_shared>>)
      %lt3A = arith.constant 39 : i32
      %lt3A_168 = arith.cmpi slt, %scan3A_101, %lt3A : i32
      %convert_element_type3A = arith.extui %lt3A_168 : i1 to i32
      %cond3A = arith.constant 0 : i32
      %cond3A_169 = arith.cmpi ne, %convert_element_type3A, %cond3A : i32
      scf.if %cond3A_169 {
        %add3A_188 = arith.constant 2 : i32
        %add3A_189 = arith.addi %mul3A_103, %add3A_188 : i32
        %add3A_190 = arith.constant 0 : i32
        %add3A_191 = arith.addi %add3A_189, %add3A_190 : i32
        %dma_start3A_192 = arith.constant 0 : i32
        %dma_start3A_193 = arith.constant 0 : i32
        %dma_start3A_194 = arith.constant 0 : i32
        %dma_start3A_195 = tpu.memref_slice %arg8[%dma_start3A_192, %dma_start3A_193, %dma_start3A_194] : memref<2x256x32xf32, #tpu.memory_space<vmem>> -> memref<1x256x32xf32, #tpu.memory_space<vmem>>
        %dma_start3A_196 = tpu.memref_squeeze %dma_start3A_195 : memref<1x256x32xf32, #tpu.memory_space<vmem>> -> memref<256x32xf32, #tpu.memory_space<vmem>>
        %dma_start3A_197 = arith.constant 0 : i32
        %dma_start3A_198 = tpu.memref_slice %arg6[%add3A_191, %dma_start3A_197] : memref<80x256xi32, #tpu.memory_space<vmem>> -> memref<1x256xi32, #tpu.memory_space<vmem>>
        %dma_start3A_199 = tpu.memref_squeeze %dma_start3A_198 : memref<1x256xi32, #tpu.memory_space<vmem>> -> memref<256xi32, #tpu.memory_space<vmem>>
        %dma_start3A_200 = arith.constant 0 : i32
        %dma_start3A_201 = arith.constant 0 : i32
        %dma_start3A_202 = tpu.memref_slice %arg11[%dma_start3A_200, %dma_start3A_201] : memref<10112x32xf32, #tpu.memory_space<vmem_shared>> -> memref<10112x32xf32, #tpu.memory_space<vmem_shared>>
        tpu.enqueue_indirect_dma source(%dma_start3A_202 : memref<10112x32xf32, #tpu.memory_space<vmem_shared>>) target(%dma_start3A_196 : memref<256x32xf32, #tpu.memory_space<vmem>>) offsets(%dma_start3A_199 : memref<256xi32, #tpu.memory_space<vmem>>) semaphore(%arg12 : memref<!tpu.dma_semaphore, #tpu.memory_space<semaphore_mem>>)
      } else {
      }
      %add3A_170 = arith.constant 1 : i32
      %add3A_171 = arith.addi %mul3A_103, %add3A_170 : i32
      %dma_wait3A_172 = arith.constant 1 : i32
      %dma_wait3A_173 = arith.constant 0 : i32
      %dma_wait3A_174 = arith.constant 0 : i32
      %dma_wait3A_175 = tpu.memref_slice %arg8[%dma_wait3A_172, %dma_wait3A_173, %dma_wait3A_174] : memref<2x256x32xf32, #tpu.memory_space<vmem>> -> memref<1x256x32xf32, #tpu.memory_space<vmem>>
      %dma_wait3A_176 = tpu.memref_squeeze %dma_wait3A_175 : memref<1x256x32xf32, #tpu.memory_space<vmem>> -> memref<256x32xf32, #tpu.memory_space<vmem>>
      %dma_wait3A_177 = arith.constant 0 : i32
      %dma_wait3A_178 = tpu.memref_slice %arg7[%add3A_171, %dma_wait3A_177] : memref<80x256xi32, #tpu.memory_space<vmem>> -> memref<1x256xi32, #tpu.memory_space<vmem>>
      %dma_wait3A_179 = tpu.memref_squeeze %dma_wait3A_178 : memref<1x256xi32, #tpu.memory_space<vmem>> -> memref<256xi32, #tpu.memory_space<vmem>>
      %dma_wait3A_180 = arith.constant 0 : i32
      %dma_wait3A_181 = arith.constant 0 : i32
      %dma_wait3A_182 = tpu.memref_slice %arg10[%dma_wait3A_180, %dma_wait3A_181] : memref<10112x32xf32, #tpu.memory_space<vmem_shared>> -> memref<10112x32xf32, #tpu.memory_space<vmem_shared>>
      tpu.wait_indirect_dma semaphore(%arg15 : memref<!tpu.dma_semaphore, #tpu.memory_space<semaphore_mem>>) src(%dma_wait3A_176 : memref<256x32xf32, #tpu.memory_space<vmem>>) dst(%dma_wait3A_182 : memref<10112x32xf32, #tpu.memory_space<vmem_shared>>)
      %lt3A_183 = arith.constant 39 : i32
      %lt3A_184 = arith.cmpi slt, %scan3A_101, %lt3A_183 : i32
      %convert_element_type3A_185 = arith.extui %lt3A_184 : i1 to i32
      %cond3A_186 = arith.constant 0 : i32
      %cond3A_187 = arith.cmpi ne, %convert_element_type3A_185, %cond3A_186 : i32
      scf.if %cond3A_187 {
        %add3A_188 = arith.constant 2 : i32
        %add3A_189 = arith.addi %mul3A_103, %add3A_188 : i32
        %add3A_190 = arith.constant 1 : i32
        %add3A_191 = arith.addi %add3A_189, %add3A_190 : i32
        %dma_start3A_192 = arith.constant 1 : i32
        %dma_start3A_193 = arith.constant 0 : i32
        %dma_start3A_194 = arith.constant 0 : i32
        %dma_start3A_195 = tpu.memref_slice %arg8[%dma_start3A_192, %dma_start3A_193, %dma_start3A_194] : memref<2x256x32xf32, #tpu.memory_space<vmem>> -> memref<1x256x32xf32, #tpu.memory_space<vmem>>
        %dma_start3A_196 = tpu.memref_squeeze %dma_start3A_195 : memref<1x256x32xf32, #tpu.memory_space<vmem>> -> memref<256x32xf32, #tpu.memory_space<vmem>>
        %dma_start3A_197 = arith.constant 0 : i32
        %dma_start3A_198 = tpu.memref_slice %arg6[%add3A_191, %dma_start3A_197] : memref<80x256xi32, #tpu.memory_space<vmem>> -> memref<1x256xi32, #tpu.memory_space<vmem>>
        %dma_start3A_199 = tpu.memref_squeeze %dma_start3A_198 : memref<1x256xi32, #tpu.memory_space<vmem>> -> memref<256xi32, #tpu.memory_space<vmem>>
        %dma_start3A_200 = arith.constant 0 : i32
        %dma_start3A_201 = arith.constant 0 : i32
        %dma_start3A_202 = tpu.memref_slice %arg11[%dma_start3A_200, %dma_start3A_201] : memref<10112x32xf32, #tpu.memory_space<vmem_shared>> -> memref<10112x32xf32, #tpu.memory_space<vmem_shared>>
        tpu.enqueue_indirect_dma source(%dma_start3A_202 : memref<10112x32xf32, #tpu.memory_space<vmem_shared>>) target(%dma_start3A_196 : memref<256x32xf32, #tpu.memory_space<vmem>>) offsets(%dma_start3A_199 : memref<256xi32, #tpu.memory_space<vmem>>) semaphore(%arg13 : memref<!tpu.dma_semaphore, #tpu.memory_space<semaphore_mem>>)
      } else {
      }
    }
    %scan3A_50 = arith.constant 40 : i32
    %barrier3A_51 = arith.constant 0 : index
    tpu.barrier barrier_id(%barrier3A_51)
    "tpu.region"() ({
      %run_scoped3A = tpu.sem_alloc : memref<!tpu.dma_semaphore, #tpu.memory_space<semaphore_mem>>
      %dma_start3A_101 = arith.constant 0 : i32
      %dma_start3A_102 = tpu.memref_slice %arg5[%add3A_8, %mul3A_0, %dma_start3A_101] : memref<4x10112x32xf32, #tpu.memory_space<hbm>> -> memref<1x632x32xf32, #tpu.memory_space<hbm>>
      %dma_start3A_103 = tpu.memref_squeeze %dma_start3A_102 : memref<1x632x32xf32, #tpu.memory_space<hbm>> -> memref<632x32xf32, #tpu.memory_space<hbm>>
      %dma_start3A_104 = arith.constant 0 : i32
      %dma_start3A_105 = tpu.memref_slice %arg10[%mul3A_0, %dma_start3A_104] : memref<10112x32xf32, #tpu.memory_space<vmem_shared>> -> memref<632x32xf32, #tpu.memory_space<vmem_shared>>
      tpu.enqueue_dma source(%dma_start3A_105 : memref<632x32xf32, #tpu.memory_space<vmem_shared>>) target(%dma_start3A_103 : memref<632x32xf32, #tpu.memory_space<hbm>>) target_semaphore(%run_scoped3A : memref<!tpu.dma_semaphore, #tpu.memory_space<semaphore_mem>>)
      %dma_wait3A = arith.constant 0 : i32
      %dma_wait3A_106 = tpu.memref_slice %arg5[%add3A_8, %mul3A_0, %dma_wait3A] : memref<4x10112x32xf32, #tpu.memory_space<hbm>> -> memref<1x632x32xf32, #tpu.memory_space<hbm>>
      %dma_wait3A_107 = tpu.memref_squeeze %dma_wait3A_106 : memref<1x632x32xf32, #tpu.memory_space<hbm>> -> memref<632x32xf32, #tpu.memory_space<hbm>>
      %dma_wait3A_108 = arith.constant 0 : i32
      %dma_wait3A_109 = tpu.memref_slice %arg10[%mul3A_0, %dma_wait3A_108] : memref<10112x32xf32, #tpu.memory_space<vmem_shared>> -> memref<632x32xf32, #tpu.memory_space<vmem_shared>>
      tpu.wait_dma2 semaphore(%run_scoped3A : memref<!tpu.dma_semaphore, #tpu.memory_space<semaphore_mem>>) src(%dma_wait3A_109 : memref<632x32xf32, #tpu.memory_space<vmem_shared>>) dst(%dma_wait3A_107 : memref<632x32xf32, #tpu.memory_space<hbm>>)
      tpu.yield
    }) : () -> ()
    %mul3A_52 = arith.constant 2 : i32
    %mul3A_53 = arith.muli %arg0, %mul3A_52 : i32
    %add3A_54 = arith.constant 1 : i32
    %add3A_55 = arith.addi %mul3A_53, %add3A_54 : i32
    %mul3A_56 = arith.constant 10112 : i32
    %mul3A_57 = arith.muli %add3A_55, %mul3A_56 : i32
    %add3A_58 = arith.addi %mul3A_57, %mul3A_0 : i32
    "tpu.region"() ({
      %run_scoped3A = tpu.sem_alloc : memref<!tpu.dma_semaphore, #tpu.memory_space<semaphore_mem>>
      %dma_start3A_101 = arith.constant 0 : i32
      %dma_start3A_102 = tpu.memref_slice %arg11[%mul3A_0, %dma_start3A_101] : memref<10112x32xf32, #tpu.memory_space<vmem_shared>> -> memref<632x32xf32, #tpu.memory_space<vmem_shared>>
      %dma_start3A_103 = arith.constant 0 : i32
      %dma_start3A_104 = tpu.memref_slice %arg4[%add3A_58, %dma_start3A_103] : memref<40448x32xf32, #tpu.memory_space<hbm>> -> memref<632x32xf32, #tpu.memory_space<hbm>>
      tpu.enqueue_dma source(%dma_start3A_104 : memref<632x32xf32, #tpu.memory_space<hbm>>) target(%dma_start3A_102 : memref<632x32xf32, #tpu.memory_space<vmem_shared>>) target_semaphore(%run_scoped3A : memref<!tpu.dma_semaphore, #tpu.memory_space<semaphore_mem>>)
      %dma_wait3A = arith.constant 0 : i32
      %dma_wait3A_105 = tpu.memref_slice %arg11[%mul3A_0, %dma_wait3A] : memref<10112x32xf32, #tpu.memory_space<vmem_shared>> -> memref<632x32xf32, #tpu.memory_space<vmem_shared>>
      %dma_wait3A_106 = arith.constant 0 : i32
      %dma_wait3A_107 = tpu.memref_slice %arg4[%add3A_58, %dma_wait3A_106] : memref<40448x32xf32, #tpu.memory_space<hbm>> -> memref<632x32xf32, #tpu.memory_space<hbm>>
      tpu.wait_dma2 semaphore(%run_scoped3A : memref<!tpu.dma_semaphore, #tpu.memory_space<semaphore_mem>>) src(%dma_wait3A_107 : memref<632x32xf32, #tpu.memory_space<hbm>>) dst(%dma_wait3A_105 : memref<632x32xf32, #tpu.memory_space<vmem_shared>>)
      tpu.yield
    }) : () -> ()
    %add3A_59 = arith.constant 0 : i32
    %add3A_60 = arith.addi %mul3A_0, %add3A_59 : i32
    "tpu.region"() ({
      %run_scoped3A = tpu.sem_alloc : memref<!tpu.dma_semaphore, #tpu.memory_space<semaphore_mem>>
      %dma_start3A_101 = arith.constant 0 : i32
      %dma_start3A_102 = tpu.memref_slice %arg10[%add3A_60, %dma_start3A_101] : memref<10112x32xf32, #tpu.memory_space<vmem_shared>> -> memref<128x32xf32, #tpu.memory_space<vmem_shared>>
      %dma_start3A_103 = arith.constant 0 : i32
      %dma_start3A_104 = tpu.memref_slice %arg10[%add3A_60, %dma_start3A_103] : memref<10112x32xf32, #tpu.memory_space<vmem_shared>> -> memref<128x32xf32, #tpu.memory_space<vmem_shared>>
      tpu.enqueue_dma source(%arg9 : memref<128x32xf32, #tpu.memory_space<vmem>>) target(%dma_start3A_104 : memref<128x32xf32, #tpu.memory_space<vmem_shared>>) target_semaphore(%run_scoped3A : memref<!tpu.dma_semaphore, #tpu.memory_space<semaphore_mem>>)
      %dma_wait3A = arith.constant 0 : i32
      %dma_wait3A_105 = tpu.memref_slice %arg10[%add3A_60, %dma_wait3A] : memref<10112x32xf32, #tpu.memory_space<vmem_shared>> -> memref<128x32xf32, #tpu.memory_space<vmem_shared>>
      %dma_wait3A_106 = arith.constant 0 : i32
      %dma_wait3A_107 = tpu.memref_slice %arg10[%add3A_60, %dma_wait3A_106] : memref<10112x32xf32, #tpu.memory_space<vmem_shared>> -> memref<128x32xf32, #tpu.memory_space<vmem_shared>>
      tpu.wait_dma2 semaphore(%run_scoped3A : memref<!tpu.dma_semaphore, #tpu.memory_space<semaphore_mem>>) src(%arg9 : memref<128x32xf32, #tpu.memory_space<vmem>>) dst(%dma_wait3A_107 : memref<128x32xf32, #tpu.memory_space<vmem_shared>>)
      tpu.yield
    }) : () -> ()
    %add3A_61 = arith.constant 128 : i32
    %add3A_62 = arith.addi %mul3A_0, %add3A_61 : i32
    "tpu.region"() ({
      %run_scoped3A = tpu.sem_alloc : memref<!tpu.dma_semaphore, #tpu.memory_space<semaphore_mem>>
      %dma_start3A_101 = arith.constant 0 : i32
      %dma_start3A_102 = tpu.memref_slice %arg10[%add3A_62, %dma_start3A_101] : memref<10112x32xf32, #tpu.memory_space<vmem_shared>> -> memref<128x32xf32, #tpu.memory_space<vmem_shared>>
      %dma_start3A_103 = arith.constant 0 : i32
      %dma_start3A_104 = tpu.memref_slice %arg10[%add3A_62, %dma_start3A_103] : memref<10112x32xf32, #tpu.memory_space<vmem_shared>> -> memref<128x32xf32, #tpu.memory_space<vmem_shared>>
      tpu.enqueue_dma source(%arg9 : memref<128x32xf32, #tpu.memory_space<vmem>>) target(%dma_start3A_104 : memref<128x32xf32, #tpu.memory_space<vmem_shared>>) target_semaphore(%run_scoped3A : memref<!tpu.dma_semaphore, #tpu.memory_space<semaphore_mem>>)
      %dma_wait3A = arith.constant 0 : i32
      %dma_wait3A_105 = tpu.memref_slice %arg10[%add3A_62, %dma_wait3A] : memref<10112x32xf32, #tpu.memory_space<vmem_shared>> -> memref<128x32xf32, #tpu.memory_space<vmem_shared>>
      %dma_wait3A_106 = arith.constant 0 : i32
      %dma_wait3A_107 = tpu.memref_slice %arg10[%add3A_62, %dma_wait3A_106] : memref<10112x32xf32, #tpu.memory_space<vmem_shared>> -> memref<128x32xf32, #tpu.memory_space<vmem_shared>>
      tpu.wait_dma2 semaphore(%run_scoped3A : memref<!tpu.dma_semaphore, #tpu.memory_space<semaphore_mem>>) src(%arg9 : memref<128x32xf32, #tpu.memory_space<vmem>>) dst(%dma_wait3A_107 : memref<128x32xf32, #tpu.memory_space<vmem_shared>>)
      tpu.yield
    }) : () -> ()
    %add3A_63 = arith.constant 256 : i32
    %add3A_64 = arith.addi %mul3A_0, %add3A_63 : i32
    "tpu.region"() ({
      %run_scoped3A = tpu.sem_alloc : memref<!tpu.dma_semaphore, #tpu.memory_space<semaphore_mem>>
      %dma_start3A_101 = arith.constant 0 : i32
      %dma_start3A_102 = tpu.memref_slice %arg10[%add3A_64, %dma_start3A_101] : memref<10112x32xf32, #tpu.memory_space<vmem_shared>> -> memref<128x32xf32, #tpu.memory_space<vmem_shared>>
      %dma_start3A_103 = arith.constant 0 : i32
      %dma_start3A_104 = tpu.memref_slice %arg10[%add3A_64, %dma_start3A_103] : memref<10112x32xf32, #tpu.memory_space<vmem_shared>> -> memref<128x32xf32, #tpu.memory_space<vmem_shared>>
      tpu.enqueue_dma source(%arg9 : memref<128x32xf32, #tpu.memory_space<vmem>>) target(%dma_start3A_104 : memref<128x32xf32, #tpu.memory_space<vmem_shared>>) target_semaphore(%run_scoped3A : memref<!tpu.dma_semaphore, #tpu.memory_space<semaphore_mem>>)
      %dma_wait3A = arith.constant 0 : i32
      %dma_wait3A_105 = tpu.memref_slice %arg10[%add3A_64, %dma_wait3A] : memref<10112x32xf32, #tpu.memory_space<vmem_shared>> -> memref<128x32xf32, #tpu.memory_space<vmem_shared>>
      %dma_wait3A_106 = arith.constant 0 : i32
      %dma_wait3A_107 = tpu.memref_slice %arg10[%add3A_64, %dma_wait3A_106] : memref<10112x32xf32, #tpu.memory_space<vmem_shared>> -> memref<128x32xf32, #tpu.memory_space<vmem_shared>>
      tpu.wait_dma2 semaphore(%run_scoped3A : memref<!tpu.dma_semaphore, #tpu.memory_space<semaphore_mem>>) src(%arg9 : memref<128x32xf32, #tpu.memory_space<vmem>>) dst(%dma_wait3A_107 : memref<128x32xf32, #tpu.memory_space<vmem_shared>>)
      tpu.yield
    }) : () -> ()
    %add3A_65 = arith.constant 384 : i32
    %add3A_66 = arith.addi %mul3A_0, %add3A_65 : i32
    "tpu.region"() ({
      %run_scoped3A = tpu.sem_alloc : memref<!tpu.dma_semaphore, #tpu.memory_space<semaphore_mem>>
      %dma_start3A_101 = arith.constant 0 : i32
      %dma_start3A_102 = tpu.memref_slice %arg10[%add3A_66, %dma_start3A_101] : memref<10112x32xf32, #tpu.memory_space<vmem_shared>> -> memref<128x32xf32, #tpu.memory_space<vmem_shared>>
      %dma_start3A_103 = arith.constant 0 : i32
      %dma_start3A_104 = tpu.memref_slice %arg10[%add3A_66, %dma_start3A_103] : memref<10112x32xf32, #tpu.memory_space<vmem_shared>> -> memref<128x32xf32, #tpu.memory_space<vmem_shared>>
      tpu.enqueue_dma source(%arg9 : memref<128x32xf32, #tpu.memory_space<vmem>>) target(%dma_start3A_104 : memref<128x32xf32, #tpu.memory_space<vmem_shared>>) target_semaphore(%run_scoped3A : memref<!tpu.dma_semaphore, #tpu.memory_space<semaphore_mem>>)
      %dma_wait3A = arith.constant 0 : i32
      %dma_wait3A_105 = tpu.memref_slice %arg10[%add3A_66, %dma_wait3A] : memref<10112x32xf32, #tpu.memory_space<vmem_shared>> -> memref<128x32xf32, #tpu.memory_space<vmem_shared>>
      %dma_wait3A_106 = arith.constant 0 : i32
      %dma_wait3A_107 = tpu.memref_slice %arg10[%add3A_66, %dma_wait3A_106] : memref<10112x32xf32, #tpu.memory_space<vmem_shared>> -> memref<128x32xf32, #tpu.memory_space<vmem_shared>>
      tpu.wait_dma2 semaphore(%run_scoped3A : memref<!tpu.dma_semaphore, #tpu.memory_space<semaphore_mem>>) src(%arg9 : memref<128x32xf32, #tpu.memory_space<vmem>>) dst(%dma_wait3A_107 : memref<128x32xf32, #tpu.memory_space<vmem_shared>>)
      tpu.yield
    }) : () -> ()
    %add3A_67 = arith.constant 512 : i32
    %add3A_68 = arith.addi %mul3A_0, %add3A_67 : i32
    "tpu.region"() ({
      %run_scoped3A = tpu.sem_alloc : memref<!tpu.dma_semaphore, #tpu.memory_space<semaphore_mem>>
      %dma_start3A_101 = arith.constant 0 : i32
      %dma_start3A_102 = arith.constant 0 : i32
      %dma_start3A_103 = tpu.memref_slice %arg9[%dma_start3A_101, %dma_start3A_102] : memref<128x32xf32, #tpu.memory_space<vmem>> -> memref<120x32xf32, #tpu.memory_space<vmem>>
      %dma_start3A_104 = arith.constant 0 : i32
      %dma_start3A_105 = tpu.memref_slice %arg10[%add3A_68, %dma_start3A_104] : memref<10112x32xf32, #tpu.memory_space<vmem_shared>> -> memref<120x32xf32, #tpu.memory_space<vmem_shared>>
      %dma_start3A_106 = arith.constant 0 : i32
      %dma_start3A_107 = tpu.memref_slice %arg10[%add3A_68, %dma_start3A_106] : memref<10112x32xf32, #tpu.memory_space<vmem_shared>> -> memref<120x32xf32, #tpu.memory_space<vmem_shared>>
      %dma_start3A_108 = arith.constant 0 : i32
      %dma_start3A_109 = arith.constant 0 : i32
      %dma_start3A_110 = tpu.memref_slice %arg9[%dma_start3A_108, %dma_start3A_109] : memref<128x32xf32, #tpu.memory_space<vmem>> -> memref<120x32xf32, #tpu.memory_space<vmem>>
      tpu.enqueue_dma source(%dma_start3A_110 : memref<120x32xf32, #tpu.memory_space<vmem>>) target(%dma_start3A_107 : memref<120x32xf32, #tpu.memory_space<vmem_shared>>) target_semaphore(%run_scoped3A : memref<!tpu.dma_semaphore, #tpu.memory_space<semaphore_mem>>)
      %dma_wait3A = arith.constant 0 : i32
      %dma_wait3A_111 = arith.constant 0 : i32
      %dma_wait3A_112 = tpu.memref_slice %arg9[%dma_wait3A, %dma_wait3A_111] : memref<128x32xf32, #tpu.memory_space<vmem>> -> memref<120x32xf32, #tpu.memory_space<vmem>>
      %dma_wait3A_113 = arith.constant 0 : i32
      %dma_wait3A_114 = tpu.memref_slice %arg10[%add3A_68, %dma_wait3A_113] : memref<10112x32xf32, #tpu.memory_space<vmem_shared>> -> memref<120x32xf32, #tpu.memory_space<vmem_shared>>
      %dma_wait3A_115 = arith.constant 0 : i32
      %dma_wait3A_116 = tpu.memref_slice %arg10[%add3A_68, %dma_wait3A_115] : memref<10112x32xf32, #tpu.memory_space<vmem_shared>> -> memref<120x32xf32, #tpu.memory_space<vmem_shared>>
      %dma_wait3A_117 = arith.constant 0 : i32
      %dma_wait3A_118 = arith.constant 0 : i32
      %dma_wait3A_119 = tpu.memref_slice %arg9[%dma_wait3A_117, %dma_wait3A_118] : memref<128x32xf32, #tpu.memory_space<vmem>> -> memref<120x32xf32, #tpu.memory_space<vmem>>
      tpu.wait_dma2 semaphore(%run_scoped3A : memref<!tpu.dma_semaphore, #tpu.memory_space<semaphore_mem>>) src(%dma_wait3A_119 : memref<120x32xf32, #tpu.memory_space<vmem>>) dst(%dma_wait3A_116 : memref<120x32xf32, #tpu.memory_space<vmem_shared>>)
      tpu.yield
    }) : () -> ()
    %barrier3A_69 = arith.constant 0 : index
    tpu.barrier barrier_id(%barrier3A_69)
    %dma_start3A_70 = arith.constant 0 : i32
    %dma_start3A_71 = arith.constant 0 : i32
    %dma_start3A_72 = arith.constant 0 : i32
    %dma_start3A_73 = arith.constant 0 : i32
    %dma_start3A_74 = tpu.memref_slice %arg8[%dma_start3A_71, %dma_start3A_72, %dma_start3A_73] : memref<2x256x32xf32, #tpu.memory_space<vmem>> -> memref<1x256x32xf32, #tpu.memory_space<vmem>>
    %dma_start3A_75 = tpu.memref_squeeze %dma_start3A_74 : memref<1x256x32xf32, #tpu.memory_space<vmem>> -> memref<256x32xf32, #tpu.memory_space<vmem>>
    %dma_start3A_76 = arith.constant 0 : i32
    %dma_start3A_77 = tpu.memref_slice %arg6[%dma_start3A_70, %dma_start3A_76] : memref<80x256xi32, #tpu.memory_space<vmem>> -> memref<1x256xi32, #tpu.memory_space<vmem>>
    %dma_start3A_78 = tpu.memref_squeeze %dma_start3A_77 : memref<1x256xi32, #tpu.memory_space<vmem>> -> memref<256xi32, #tpu.memory_space<vmem>>
    %dma_start3A_79 = arith.constant 0 : i32
    %dma_start3A_80 = arith.constant 0 : i32
    %dma_start3A_81 = tpu.memref_slice %arg11[%dma_start3A_79, %dma_start3A_80] : memref<10112x32xf32, #tpu.memory_space<vmem_shared>> -> memref<10112x32xf32, #tpu.memory_space<vmem_shared>>
    tpu.enqueue_indirect_dma source(%dma_start3A_81 : memref<10112x32xf32, #tpu.memory_space<vmem_shared>>) target(%dma_start3A_75 : memref<256x32xf32, #tpu.memory_space<vmem>>) offsets(%dma_start3A_78 : memref<256xi32, #tpu.memory_space<vmem>>) semaphore(%arg12 : memref<!tpu.dma_semaphore, #tpu.memory_space<semaphore_mem>>)
    %dma_start3A_82 = arith.constant 1 : i32
    %dma_start3A_83 = arith.constant 1 : i32
    %dma_start3A_84 = arith.constant 0 : i32
    %dma_start3A_85 = arith.constant 0 : i32
    %dma_start3A_86 = tpu.memref_slice %arg8[%dma_start3A_83, %dma_start3A_84, %dma_start3A_85] : memref<2x256x32xf32, #tpu.memory_space<vmem>> -> memref<1x256x32xf32, #tpu.memory_space<vmem>>
    %dma_start3A_87 = tpu.memref_squeeze %dma_start3A_86 : memref<1x256x32xf32, #tpu.memory_space<vmem>> -> memref<256x32xf32, #tpu.memory_space<vmem>>
    %dma_start3A_88 = arith.constant 0 : i32
    %dma_start3A_89 = tpu.memref_slice %arg6[%dma_start3A_82, %dma_start3A_88] : memref<80x256xi32, #tpu.memory_space<vmem>> -> memref<1x256xi32, #tpu.memory_space<vmem>>
    %dma_start3A_90 = tpu.memref_squeeze %dma_start3A_89 : memref<1x256xi32, #tpu.memory_space<vmem>> -> memref<256xi32, #tpu.memory_space<vmem>>
    %dma_start3A_91 = arith.constant 0 : i32
    %dma_start3A_92 = arith.constant 0 : i32
    %dma_start3A_93 = tpu.memref_slice %arg11[%dma_start3A_91, %dma_start3A_92] : memref<10112x32xf32, #tpu.memory_space<vmem_shared>> -> memref<10112x32xf32, #tpu.memory_space<vmem_shared>>
    tpu.enqueue_indirect_dma source(%dma_start3A_93 : memref<10112x32xf32, #tpu.memory_space<vmem_shared>>) target(%dma_start3A_87 : memref<256x32xf32, #tpu.memory_space<vmem>>) offsets(%dma_start3A_90 : memref<256xi32, #tpu.memory_space<vmem>>) semaphore(%arg13 : memref<!tpu.dma_semaphore, #tpu.memory_space<semaphore_mem>>)
    %scan3A_94 = arith.constant 0 : i32
    %scan3A_95 = arith.constant 0 : i32
    %scan3A_96 = arith.constant 40 : i32
    %scan3A_97 = arith.addi %scan3A_95, %scan3A_96 : i32
    %scan3A_98 = arith.constant 1 : i32
    scf.for %scan3A_101 = %scan3A_95 to %scan3A_97 step %scan3A_98  : i32 {
      %mul3A_102 = arith.constant 2 : i32
      %mul3A_103 = arith.muli %scan3A_101, %mul3A_102 : i32
      %add3A_104 = arith.constant 0 : i32
      %add3A_105 = arith.addi %mul3A_103, %add3A_104 : i32
      %dma_wait3A = arith.constant 0 : i32
      %dma_wait3A_106 = arith.constant 0 : i32
      %dma_wait3A_107 = arith.constant 0 : i32
      %dma_wait3A_108 = tpu.memref_slice %arg8[%dma_wait3A, %dma_wait3A_106, %dma_wait3A_107] : memref<2x256x32xf32, #tpu.memory_space<vmem>> -> memref<1x256x32xf32, #tpu.memory_space<vmem>>
      %dma_wait3A_109 = tpu.memref_squeeze %dma_wait3A_108 : memref<1x256x32xf32, #tpu.memory_space<vmem>> -> memref<256x32xf32, #tpu.memory_space<vmem>>
      %dma_wait3A_110 = arith.constant 0 : i32
      %dma_wait3A_111 = tpu.memref_slice %arg6[%add3A_105, %dma_wait3A_110] : memref<80x256xi32, #tpu.memory_space<vmem>> -> memref<1x256xi32, #tpu.memory_space<vmem>>
      %dma_wait3A_112 = tpu.memref_squeeze %dma_wait3A_111 : memref<1x256xi32, #tpu.memory_space<vmem>> -> memref<256xi32, #tpu.memory_space<vmem>>
      %dma_wait3A_113 = arith.constant 0 : i32
      %dma_wait3A_114 = arith.constant 0 : i32
      %dma_wait3A_115 = tpu.memref_slice %arg11[%dma_wait3A_113, %dma_wait3A_114] : memref<10112x32xf32, #tpu.memory_space<vmem_shared>> -> memref<10112x32xf32, #tpu.memory_space<vmem_shared>>
      tpu.wait_indirect_dma semaphore(%arg12 : memref<!tpu.dma_semaphore, #tpu.memory_space<semaphore_mem>>) src(%dma_wait3A_115 : memref<10112x32xf32, #tpu.memory_space<vmem_shared>>) dst(%dma_wait3A_109 : memref<256x32xf32, #tpu.memory_space<vmem>>)
      %add3A_116 = arith.constant 0 : i32
      %add3A_117 = arith.addi %mul3A_103, %add3A_116 : i32
      %dma_start3A_118 = arith.constant 0 : i32
      %dma_start3A_119 = arith.constant 0 : i32
      %dma_start3A_120 = arith.constant 0 : i32
      %dma_start3A_121 = tpu.memref_slice %arg8[%dma_start3A_118, %dma_start3A_119, %dma_start3A_120] : memref<2x256x32xf32, #tpu.memory_space<vmem>> -> memref<1x256x32xf32, #tpu.memory_space<vmem>>
      %dma_start3A_122 = tpu.memref_squeeze %dma_start3A_121 : memref<1x256x32xf32, #tpu.memory_space<vmem>> -> memref<256x32xf32, #tpu.memory_space<vmem>>
      %dma_start3A_123 = arith.constant 0 : i32
      %dma_start3A_124 = tpu.memref_slice %arg7[%add3A_117, %dma_start3A_123] : memref<80x256xi32, #tpu.memory_space<vmem>> -> memref<1x256xi32, #tpu.memory_space<vmem>>
      %dma_start3A_125 = tpu.memref_squeeze %dma_start3A_124 : memref<1x256xi32, #tpu.memory_space<vmem>> -> memref<256xi32, #tpu.memory_space<vmem>>
      %dma_start3A_126 = arith.constant 0 : i32
      %dma_start3A_127 = arith.constant 0 : i32
      %dma_start3A_128 = tpu.memref_slice %arg10[%dma_start3A_126, %dma_start3A_127] : memref<10112x32xf32, #tpu.memory_space<vmem_shared>> -> memref<10112x32xf32, #tpu.memory_space<vmem_shared>>
      tpu.enqueue_indirect_dma source(%dma_start3A_122 : memref<256x32xf32, #tpu.memory_space<vmem>>) target(%dma_start3A_128 : memref<10112x32xf32, #tpu.memory_space<vmem_shared>>) offsets(%dma_start3A_125 : memref<256xi32, #tpu.memory_space<vmem>>) semaphore(%arg14 : memref<!tpu.dma_semaphore, #tpu.memory_space<semaphore_mem>>) {add = true}
      %add3A_129 = arith.constant 1 : i32
      %add3A_130 = arith.addi %mul3A_103, %add3A_129 : i32
      %dma_wait3A_131 = arith.constant 1 : i32
      %dma_wait3A_132 = arith.constant 0 : i32
      %dma_wait3A_133 = arith.constant 0 : i32
      %dma_wait3A_134 = tpu.memref_slice %arg8[%dma_wait3A_131, %dma_wait3A_132, %dma_wait3A_133] : memref<2x256x32xf32, #tpu.memory_space<vmem>> -> memref<1x256x32xf32, #tpu.memory_space<vmem>>
      %dma_wait3A_135 = tpu.memref_squeeze %dma_wait3A_134 : memref<1x256x32xf32, #tpu.memory_space<vmem>> -> memref<256x32xf32, #tpu.memory_space<vmem>>
      %dma_wait3A_136 = arith.constant 0 : i32
      %dma_wait3A_137 = tpu.memref_slice %arg6[%add3A_130, %dma_wait3A_136] : memref<80x256xi32, #tpu.memory_space<vmem>> -> memref<1x256xi32, #tpu.memory_space<vmem>>
      %dma_wait3A_138 = tpu.memref_squeeze %dma_wait3A_137 : memref<1x256xi32, #tpu.memory_space<vmem>> -> memref<256xi32, #tpu.memory_space<vmem>>
      %dma_wait3A_139 = arith.constant 0 : i32
      %dma_wait3A_140 = arith.constant 0 : i32
      %dma_wait3A_141 = tpu.memref_slice %arg11[%dma_wait3A_139, %dma_wait3A_140] : memref<10112x32xf32, #tpu.memory_space<vmem_shared>> -> memref<10112x32xf32, #tpu.memory_space<vmem_shared>>
      tpu.wait_indirect_dma semaphore(%arg13 : memref<!tpu.dma_semaphore, #tpu.memory_space<semaphore_mem>>) src(%dma_wait3A_141 : memref<10112x32xf32, #tpu.memory_space<vmem_shared>>) dst(%dma_wait3A_135 : memref<256x32xf32, #tpu.memory_space<vmem>>)
      %add3A_142 = arith.constant 1 : i32
      %add3A_143 = arith.addi %mul3A_103, %add3A_142 : i32
      %dma_start3A_144 = arith.constant 1 : i32
      %dma_start3A_145 = arith.constant 0 : i32
      %dma_start3A_146 = arith.constant 0 : i32
      %dma_start3A_147 = tpu.memref_slice %arg8[%dma_start3A_144, %dma_start3A_145, %dma_start3A_146] : memref<2x256x32xf32, #tpu.memory_space<vmem>> -> memref<1x256x32xf32, #tpu.memory_space<vmem>>
      %dma_start3A_148 = tpu.memref_squeeze %dma_start3A_147 : memref<1x256x32xf32, #tpu.memory_space<vmem>> -> memref<256x32xf32, #tpu.memory_space<vmem>>
      %dma_start3A_149 = arith.constant 0 : i32
      %dma_start3A_150 = tpu.memref_slice %arg7[%add3A_143, %dma_start3A_149] : memref<80x256xi32, #tpu.memory_space<vmem>> -> memref<1x256xi32, #tpu.memory_space<vmem>>
      %dma_start3A_151 = tpu.memref_squeeze %dma_start3A_150 : memref<1x256xi32, #tpu.memory_space<vmem>> -> memref<256xi32, #tpu.memory_space<vmem>>
      %dma_start3A_152 = arith.constant 0 : i32
      %dma_start3A_153 = arith.constant 0 : i32
      %dma_start3A_154 = tpu.memref_slice %arg10[%dma_start3A_152, %dma_start3A_153] : memref<10112x32xf32, #tpu.memory_space<vmem_shared>> -> memref<10112x32xf32, #tpu.memory_space<vmem_shared>>
      tpu.enqueue_indirect_dma source(%dma_start3A_148 : memref<256x32xf32, #tpu.memory_space<vmem>>) target(%dma_start3A_154 : memref<10112x32xf32, #tpu.memory_space<vmem_shared>>) offsets(%dma_start3A_151 : memref<256xi32, #tpu.memory_space<vmem>>) semaphore(%arg15 : memref<!tpu.dma_semaphore, #tpu.memory_space<semaphore_mem>>) {add = true}
      %add3A_155 = arith.constant 0 : i32
      %add3A_156 = arith.addi %mul3A_103, %add3A_155 : i32
      %dma_wait3A_157 = arith.constant 0 : i32
      %dma_wait3A_158 = arith.constant 0 : i32
      %dma_wait3A_159 = arith.constant 0 : i32
      %dma_wait3A_160 = tpu.memref_slice %arg8[%dma_wait3A_157, %dma_wait3A_158, %dma_wait3A_159] : memref<2x256x32xf32, #tpu.memory_space<vmem>> -> memref<1x256x32xf32, #tpu.memory_space<vmem>>
      %dma_wait3A_161 = tpu.memref_squeeze %dma_wait3A_160 : memref<1x256x32xf32, #tpu.memory_space<vmem>> -> memref<256x32xf32, #tpu.memory_space<vmem>>
      %dma_wait3A_162 = arith.constant 0 : i32
      %dma_wait3A_163 = tpu.memref_slice %arg7[%add3A_156, %dma_wait3A_162] : memref<80x256xi32, #tpu.memory_space<vmem>> -> memref<1x256xi32, #tpu.memory_space<vmem>>
      %dma_wait3A_164 = tpu.memref_squeeze %dma_wait3A_163 : memref<1x256xi32, #tpu.memory_space<vmem>> -> memref<256xi32, #tpu.memory_space<vmem>>
      %dma_wait3A_165 = arith.constant 0 : i32
      %dma_wait3A_166 = arith.constant 0 : i32
      %dma_wait3A_167 = tpu.memref_slice %arg10[%dma_wait3A_165, %dma_wait3A_166] : memref<10112x32xf32, #tpu.memory_space<vmem_shared>> -> memref<10112x32xf32, #tpu.memory_space<vmem_shared>>
      tpu.wait_indirect_dma semaphore(%arg14 : memref<!tpu.dma_semaphore, #tpu.memory_space<semaphore_mem>>) src(%dma_wait3A_161 : memref<256x32xf32, #tpu.memory_space<vmem>>) dst(%dma_wait3A_167 : memref<10112x32xf32, #tpu.memory_space<vmem_shared>>)
      %lt3A = arith.constant 39 : i32
      %lt3A_168 = arith.cmpi slt, %scan3A_101, %lt3A : i32
      %convert_element_type3A = arith.extui %lt3A_168 : i1 to i32
      %cond3A = arith.constant 0 : i32
      %cond3A_169 = arith.cmpi ne, %convert_element_type3A, %cond3A : i32
      scf.if %cond3A_169 {
        %add3A_188 = arith.constant 2 : i32
        %add3A_189 = arith.addi %mul3A_103, %add3A_188 : i32
        %add3A_190 = arith.constant 0 : i32
        %add3A_191 = arith.addi %add3A_189, %add3A_190 : i32
        %dma_start3A_192 = arith.constant 0 : i32
        %dma_start3A_193 = arith.constant 0 : i32
        %dma_start3A_194 = arith.constant 0 : i32
        %dma_start3A_195 = tpu.memref_slice %arg8[%dma_start3A_192, %dma_start3A_193, %dma_start3A_194] : memref<2x256x32xf32, #tpu.memory_space<vmem>> -> memref<1x256x32xf32, #tpu.memory_space<vmem>>
        %dma_start3A_196 = tpu.memref_squeeze %dma_start3A_195 : memref<1x256x32xf32, #tpu.memory_space<vmem>> -> memref<256x32xf32, #tpu.memory_space<vmem>>
        %dma_start3A_197 = arith.constant 0 : i32
        %dma_start3A_198 = tpu.memref_slice %arg6[%add3A_191, %dma_start3A_197] : memref<80x256xi32, #tpu.memory_space<vmem>> -> memref<1x256xi32, #tpu.memory_space<vmem>>
        %dma_start3A_199 = tpu.memref_squeeze %dma_start3A_198 : memref<1x256xi32, #tpu.memory_space<vmem>> -> memref<256xi32, #tpu.memory_space<vmem>>
        %dma_start3A_200 = arith.constant 0 : i32
        %dma_start3A_201 = arith.constant 0 : i32
        %dma_start3A_202 = tpu.memref_slice %arg11[%dma_start3A_200, %dma_start3A_201] : memref<10112x32xf32, #tpu.memory_space<vmem_shared>> -> memref<10112x32xf32, #tpu.memory_space<vmem_shared>>
        tpu.enqueue_indirect_dma source(%dma_start3A_202 : memref<10112x32xf32, #tpu.memory_space<vmem_shared>>) target(%dma_start3A_196 : memref<256x32xf32, #tpu.memory_space<vmem>>) offsets(%dma_start3A_199 : memref<256xi32, #tpu.memory_space<vmem>>) semaphore(%arg12 : memref<!tpu.dma_semaphore, #tpu.memory_space<semaphore_mem>>)
      } else {
      }
      %add3A_170 = arith.constant 1 : i32
      %add3A_171 = arith.addi %mul3A_103, %add3A_170 : i32
      %dma_wait3A_172 = arith.constant 1 : i32
      %dma_wait3A_173 = arith.constant 0 : i32
      %dma_wait3A_174 = arith.constant 0 : i32
      %dma_wait3A_175 = tpu.memref_slice %arg8[%dma_wait3A_172, %dma_wait3A_173, %dma_wait3A_174] : memref<2x256x32xf32, #tpu.memory_space<vmem>> -> memref<1x256x32xf32, #tpu.memory_space<vmem>>
      %dma_wait3A_176 = tpu.memref_squeeze %dma_wait3A_175 : memref<1x256x32xf32, #tpu.memory_space<vmem>> -> memref<256x32xf32, #tpu.memory_space<vmem>>
      %dma_wait3A_177 = arith.constant 0 : i32
      %dma_wait3A_178 = tpu.memref_slice %arg7[%add3A_171, %dma_wait3A_177] : memref<80x256xi32, #tpu.memory_space<vmem>> -> memref<1x256xi32, #tpu.memory_space<vmem>>
      %dma_wait3A_179 = tpu.memref_squeeze %dma_wait3A_178 : memref<1x256xi32, #tpu.memory_space<vmem>> -> memref<256xi32, #tpu.memory_space<vmem>>
      %dma_wait3A_180 = arith.constant 0 : i32
      %dma_wait3A_181 = arith.constant 0 : i32
      %dma_wait3A_182 = tpu.memref_slice %arg10[%dma_wait3A_180, %dma_wait3A_181] : memref<10112x32xf32, #tpu.memory_space<vmem_shared>> -> memref<10112x32xf32, #tpu.memory_space<vmem_shared>>
      tpu.wait_indirect_dma semaphore(%arg15 : memref<!tpu.dma_semaphore, #tpu.memory_space<semaphore_mem>>) src(%dma_wait3A_176 : memref<256x32xf32, #tpu.memory_space<vmem>>) dst(%dma_wait3A_182 : memref<10112x32xf32, #tpu.memory_space<vmem_shared>>)
      %lt3A_183 = arith.constant 39 : i32
      %lt3A_184 = arith.cmpi slt, %scan3A_101, %lt3A_183 : i32
      %convert_element_type3A_185 = arith.extui %lt3A_184 : i1 to i32
      %cond3A_186 = arith.constant 0 : i32
      %cond3A_187 = arith.cmpi ne, %convert_element_type3A_185, %cond3A_186 : i32
      scf.if %cond3A_187 {
        %add3A_188 = arith.constant 2 : i32
        %add3A_189 = arith.addi %mul3A_103, %add3A_188 : i32
        %add3A_190 = arith.constant 1 : i32
        %add3A_191 = arith.addi %add3A_189, %add3A_190 : i32
        %dma_start3A_192 = arith.constant 1 : i32
        %dma_start3A_193 = arith.constant 0 : i32
        %dma_start3A_194 = arith.constant 0 : i32
        %dma_start3A_195 = tpu.memref_slice %arg8[%dma_start3A_192, %dma_start3A_193, %dma_start3A_194] : memref<2x256x32xf32, #tpu.memory_space<vmem>> -> memref<1x256x32xf32, #tpu.memory_space<vmem>>
        %dma_start3A_196 = tpu.memref_squeeze %dma_start3A_195 : memref<1x256x32xf32, #tpu.memory_space<vmem>> -> memref<256x32xf32, #tpu.memory_space<vmem>>
        %dma_start3A_197 = arith.constant 0 : i32
        %dma_start3A_198 = tpu.memref_slice %arg6[%add3A_191, %dma_start3A_197] : memref<80x256xi32, #tpu.memory_space<vmem>> -> memref<1x256xi32, #tpu.memory_space<vmem>>
        %dma_start3A_199 = tpu.memref_squeeze %dma_start3A_198 : memref<1x256xi32, #tpu.memory_space<vmem>> -> memref<256xi32, #tpu.memory_space<vmem>>
        %dma_start3A_200 = arith.constant 0 : i32
        %dma_start3A_201 = arith.constant 0 : i32
        %dma_start3A_202 = tpu.memref_slice %arg11[%dma_start3A_200, %dma_start3A_201] : memref<10112x32xf32, #tpu.memory_space<vmem_shared>> -> memref<10112x32xf32, #tpu.memory_space<vmem_shared>>
        tpu.enqueue_indirect_dma source(%dma_start3A_202 : memref<10112x32xf32, #tpu.memory_space<vmem_shared>>) target(%dma_start3A_196 : memref<256x32xf32, #tpu.memory_space<vmem>>) offsets(%dma_start3A_199 : memref<256xi32, #tpu.memory_space<vmem>>) semaphore(%arg13 : memref<!tpu.dma_semaphore, #tpu.memory_space<semaphore_mem>>)
      } else {
      }
    }
    %scan3A_99 = arith.constant 40 : i32
    %barrier3A_100 = arith.constant 0 : index
    tpu.barrier barrier_id(%barrier3A_100)
    "tpu.region"() ({
      %run_scoped3A = tpu.sem_alloc : memref<!tpu.dma_semaphore, #tpu.memory_space<semaphore_mem>>
      %dma_start3A_101 = arith.constant 0 : i32
      %dma_start3A_102 = tpu.memref_slice %arg5[%add3A_55, %mul3A_0, %dma_start3A_101] : memref<4x10112x32xf32, #tpu.memory_space<hbm>> -> memref<1x632x32xf32, #tpu.memory_space<hbm>>
      %dma_start3A_103 = tpu.memref_squeeze %dma_start3A_102 : memref<1x632x32xf32, #tpu.memory_space<hbm>> -> memref<632x32xf32, #tpu.memory_space<hbm>>
      %dma_start3A_104 = arith.constant 0 : i32
      %dma_start3A_105 = tpu.memref_slice %arg10[%mul3A_0, %dma_start3A_104] : memref<10112x32xf32, #tpu.memory_space<vmem_shared>> -> memref<632x32xf32, #tpu.memory_space<vmem_shared>>
      tpu.enqueue_dma source(%dma_start3A_105 : memref<632x32xf32, #tpu.memory_space<vmem_shared>>) target(%dma_start3A_103 : memref<632x32xf32, #tpu.memory_space<hbm>>) target_semaphore(%run_scoped3A : memref<!tpu.dma_semaphore, #tpu.memory_space<semaphore_mem>>)
      %dma_wait3A = arith.constant 0 : i32
      %dma_wait3A_106 = tpu.memref_slice %arg5[%add3A_55, %mul3A_0, %dma_wait3A] : memref<4x10112x32xf32, #tpu.memory_space<hbm>> -> memref<1x632x32xf32, #tpu.memory_space<hbm>>
      %dma_wait3A_107 = tpu.memref_squeeze %dma_wait3A_106 : memref<1x632x32xf32, #tpu.memory_space<hbm>> -> memref<632x32xf32, #tpu.memory_space<hbm>>
      %dma_wait3A_108 = arith.constant 0 : i32
      %dma_wait3A_109 = tpu.memref_slice %arg10[%mul3A_0, %dma_wait3A_108] : memref<10112x32xf32, #tpu.memory_space<vmem_shared>> -> memref<632x32xf32, #tpu.memory_space<vmem_shared>>
      tpu.wait_dma2 semaphore(%run_scoped3A : memref<!tpu.dma_semaphore, #tpu.memory_space<semaphore_mem>>) src(%dma_wait3A_109 : memref<632x32xf32, #tpu.memory_space<vmem_shared>>) dst(%dma_wait3A_107 : memref<632x32xf32, #tpu.memory_space<hbm>>)
      tpu.yield
    }) : () -> ()
    return
  }
}

#map = affine_map<(d0, d1) -> (0, 0, 0)>
module attributes {stable_mosaic.version = 14 : i64} {
  func.func @_deg_kernel(%arg0: i32, %arg1: i32, %arg2: memref<32x79x128xi32, #tpu.memory_space<hbm>>, %arg3: memref<2x10112x16xf32, #tpu.memory_space<hbm>>, %arg4: memref<79x128xi32, #tpu.memory_space<vmem>>, %arg5: memref<128x16xf32, #tpu.memory_space<vmem>>, %arg6: memref<320x16xf32, #tpu.memory_space<vmem>>, %arg7: memref<10112x16xf32, #tpu.memory_space<vmem_shared>>) attributes {dimension_semantics = [#tpu.dimension_semantics<core_parallel>, #tpu.dimension_semantics<subcore_parallel>], iteration_bounds = array<i64: 2, 16>, scalar_prefetch = 0 : i64, scratch_operands = 4 : i64, tpu.core_type = #tpu.core_type<sc_vector_subcore>, window_params = [{transform_indices = #map}, {transform_indices = #map}]} {
    %mul3A = arith.constant 16 : i32
    %mul3A_0 = arith.muli %arg0, %mul3A : i32
    %add3A = arith.addi %mul3A_0, %arg1 : i32
    "tpu.region"() ({
      %run_scoped3A = tpu.sem_alloc : memref<!tpu.dma_semaphore, #tpu.memory_space<semaphore_mem>>
      %dma_start3A = arith.constant 0 : i32
      %dma_start3A_23 = arith.constant 0 : i32
      %dma_start3A_24 = tpu.memref_slice %arg2[%add3A, %dma_start3A, %dma_start3A_23] : memref<32x79x128xi32, #tpu.memory_space<hbm>> -> memref<1x79x128xi32, #tpu.memory_space<hbm>>
      %dma_start3A_25 = tpu.memref_squeeze %dma_start3A_24 : memref<1x79x128xi32, #tpu.memory_space<hbm>> -> memref<79x128xi32, #tpu.memory_space<hbm>>
      %dma_start3A_26 = arith.constant 0 : i32
      %dma_start3A_27 = arith.constant 0 : i32
      %dma_start3A_28 = tpu.memref_slice %arg2[%add3A, %dma_start3A_26, %dma_start3A_27] : memref<32x79x128xi32, #tpu.memory_space<hbm>> -> memref<1x79x128xi32, #tpu.memory_space<hbm>>
      %dma_start3A_29 = tpu.memref_squeeze %dma_start3A_28 : memref<1x79x128xi32, #tpu.memory_space<hbm>> -> memref<79x128xi32, #tpu.memory_space<hbm>>
      tpu.enqueue_dma source(%dma_start3A_29 : memref<79x128xi32, #tpu.memory_space<hbm>>) target(%arg4 : memref<79x128xi32, #tpu.memory_space<vmem>>) target_semaphore(%run_scoped3A : memref<!tpu.dma_semaphore, #tpu.memory_space<semaphore_mem>>)
      %dma_wait3A = arith.constant 0 : i32
      %dma_wait3A_30 = arith.constant 0 : i32
      %dma_wait3A_31 = tpu.memref_slice %arg2[%add3A, %dma_wait3A, %dma_wait3A_30] : memref<32x79x128xi32, #tpu.memory_space<hbm>> -> memref<1x79x128xi32, #tpu.memory_space<hbm>>
      %dma_wait3A_32 = tpu.memref_squeeze %dma_wait3A_31 : memref<1x79x128xi32, #tpu.memory_space<hbm>> -> memref<79x128xi32, #tpu.memory_space<hbm>>
      %dma_wait3A_33 = arith.constant 0 : i32
      %dma_wait3A_34 = arith.constant 0 : i32
      %dma_wait3A_35 = tpu.memref_slice %arg2[%add3A, %dma_wait3A_33, %dma_wait3A_34] : memref<32x79x128xi32, #tpu.memory_space<hbm>> -> memref<1x79x128xi32, #tpu.memory_space<hbm>>
      %dma_wait3A_36 = tpu.memref_squeeze %dma_wait3A_35 : memref<1x79x128xi32, #tpu.memory_space<hbm>> -> memref<79x128xi32, #tpu.memory_space<hbm>>
      tpu.wait_dma2 semaphore(%run_scoped3A : memref<!tpu.dma_semaphore, #tpu.memory_space<semaphore_mem>>) src(%dma_wait3A_36 : memref<79x128xi32, #tpu.memory_space<hbm>>) dst(%arg4 : memref<79x128xi32, #tpu.memory_space<vmem>>)
      tpu.yield
    }) : () -> ()
    %scan3A = arith.constant 0 : i32
    %scan3A_1 = arith.constant 0 : i32
    %scan3A_2 = arith.constant 128 : i32
    %scan3A_3 = arith.addi %scan3A_1, %scan3A_2 : i32
    %scan3A_4 = arith.constant 1 : i32
    scf.for %scan3A_23 = %scan3A_1 to %scan3A_3 step %scan3A_4  : i32 {
      %broadcast_in_dim3A = arith.constant 1.000000e+00 : f32
      %broadcast_in_dim3A_24 = vector.broadcast %broadcast_in_dim3A : f32 to vector<16xf32>
      %swap3A = arith.index_cast %scan3A_23 : i32 to index
      %swap3A_25 = arith.constant 0 : index
      %swap3A_26 = tpu.vector_load %arg5[%swap3A, %swap3A_25] {strides = array<i32>} : memref<128x16xf32, #tpu.memory_space<vmem>>, vector<1x16xf32>,
      %swap3A_27 = vector.shape_cast %swap3A_26 : vector<1x16xf32> to vector<16xf32>
      %swap3A_28 = vector.shape_cast %broadcast_in_dim3A_24 : vector<16xf32> to vector<1x16xf32>
      tpu.vector_store %arg5[%swap3A, %swap3A_25], %swap3A_28 {strides = array<i32>} : memref<128x16xf32, #tpu.memory_space<vmem>>, vector<1x16xf32>,
    }
    %scan3A_5 = arith.constant 128 : i32
    %scan3A_6 = arith.constant 0 : i32
    %scan3A_7 = arith.constant 0 : i32
    %scan3A_8 = arith.constant 320 : i32
    %scan3A_9 = arith.addi %scan3A_7, %scan3A_8 : i32
    %scan3A_10 = arith.constant 1 : i32
    scf.for %scan3A_23 = %scan3A_7 to %scan3A_9 step %scan3A_10  : i32 {
      %broadcast_in_dim3A = arith.constant 0.000000e+00 : f32
      %broadcast_in_dim3A_24 = vector.broadcast %broadcast_in_dim3A : f32 to vector<16xf32>
      %swap3A = arith.index_cast %scan3A_23 : i32 to index
      %swap3A_25 = arith.constant 0 : index
      %swap3A_26 = tpu.vector_load %arg6[%swap3A, %swap3A_25] {strides = array<i32>} : memref<320x16xf32, #tpu.memory_space<vmem>>, vector<1x16xf32>,
      %swap3A_27 = vector.shape_cast %swap3A_26 : vector<1x16xf32> to vector<16xf32>
      %swap3A_28 = vector.shape_cast %broadcast_in_dim3A_24 : vector<16xf32> to vector<1x16xf32>
      tpu.vector_store %arg6[%swap3A, %swap3A_25], %swap3A_28 {strides = array<i32>} : memref<320x16xf32, #tpu.memory_space<vmem>>, vector<1x16xf32>,
    }
    %scan3A_11 = arith.constant 320 : i32
    %mul3A_12 = arith.constant 632 : i32
    %mul3A_13 = arith.muli %arg1, %mul3A_12 : i32
    "tpu.region"() ({
      %run_scoped3A = tpu.sem_alloc : memref<!tpu.dma_semaphore, #tpu.memory_space<semaphore_mem>>
      %dma_start3A = arith.constant 0 : i32
      %dma_start3A_23 = tpu.memref_slice %arg7[%mul3A_13, %dma_start3A] : memref<10112x16xf32, #tpu.memory_space<vmem_shared>> -> memref<320x16xf32, #tpu.memory_space<vmem_shared>>
      %dma_start3A_24 = arith.constant 0 : i32
      %dma_start3A_25 = tpu.memref_slice %arg7[%mul3A_13, %dma_start3A_24] : memref<10112x16xf32, #tpu.memory_space<vmem_shared>> -> memref<320x16xf32, #tpu.memory_space<vmem_shared>>
      tpu.enqueue_dma source(%arg6 : memref<320x16xf32, #tpu.memory_space<vmem>>) target(%dma_start3A_25 : memref<320x16xf32, #tpu.memory_space<vmem_shared>>) target_semaphore(%run_scoped3A : memref<!tpu.dma_semaphore, #tpu.memory_space<semaphore_mem>>)
      %dma_wait3A = arith.constant 0 : i32
      %dma_wait3A_26 = tpu.memref_slice %arg7[%mul3A_13, %dma_wait3A] : memref<10112x16xf32, #tpu.memory_space<vmem_shared>> -> memref<320x16xf32, #tpu.memory_space<vmem_shared>>
      %dma_wait3A_27 = arith.constant 0 : i32
      %dma_wait3A_28 = tpu.memref_slice %arg7[%mul3A_13, %dma_wait3A_27] : memref<10112x16xf32, #tpu.memory_space<vmem_shared>> -> memref<320x16xf32, #tpu.memory_space<vmem_shared>>
      tpu.wait_dma2 semaphore(%run_scoped3A : memref<!tpu.dma_semaphore, #tpu.memory_space<semaphore_mem>>) src(%arg6 : memref<320x16xf32, #tpu.memory_space<vmem>>) dst(%dma_wait3A_28 : memref<320x16xf32, #tpu.memory_space<vmem_shared>>)
      tpu.yield
    }) : () -> ()
    %add3A_14 = arith.constant 320 : i32
    %add3A_15 = arith.addi %mul3A_13, %add3A_14 : i32
    "tpu.region"() ({
      %run_scoped3A = tpu.sem_alloc : memref<!tpu.dma_semaphore, #tpu.memory_space<semaphore_mem>>
      %dma_start3A = arith.constant 0 : i32
      %dma_start3A_23 = arith.constant 0 : i32
      %dma_start3A_24 = tpu.memref_slice %arg6[%dma_start3A, %dma_start3A_23] : memref<320x16xf32, #tpu.memory_space<vmem>> -> memref<312x16xf32, #tpu.memory_space<vmem>>
      %dma_start3A_25 = arith.constant 0 : i32
      %dma_start3A_26 = tpu.memref_slice %arg7[%add3A_15, %dma_start3A_25] : memref<10112x16xf32, #tpu.memory_space<vmem_shared>> -> memref<312x16xf32, #tpu.memory_space<vmem_shared>>
      %dma_start3A_27 = arith.constant 0 : i32
      %dma_start3A_28 = tpu.memref_slice %arg7[%add3A_15, %dma_start3A_27] : memref<10112x16xf32, #tpu.memory_space<vmem_shared>> -> memref<312x16xf32, #tpu.memory_space<vmem_shared>>
      %dma_start3A_29 = arith.constant 0 : i32
      %dma_start3A_30 = arith.constant 0 : i32
      %dma_start3A_31 = tpu.memref_slice %arg6[%dma_start3A_29, %dma_start3A_30] : memref<320x16xf32, #tpu.memory_space<vmem>> -> memref<312x16xf32, #tpu.memory_space<vmem>>
      tpu.enqueue_dma source(%dma_start3A_31 : memref<312x16xf32, #tpu.memory_space<vmem>>) target(%dma_start3A_28 : memref<312x16xf32, #tpu.memory_space<vmem_shared>>) target_semaphore(%run_scoped3A : memref<!tpu.dma_semaphore, #tpu.memory_space<semaphore_mem>>)
      %dma_wait3A = arith.constant 0 : i32
      %dma_wait3A_32 = arith.constant 0 : i32
      %dma_wait3A_33 = tpu.memref_slice %arg6[%dma_wait3A, %dma_wait3A_32] : memref<320x16xf32, #tpu.memory_space<vmem>> -> memref<312x16xf32, #tpu.memory_space<vmem>>
      %dma_wait3A_34 = arith.constant 0 : i32
      %dma_wait3A_35 = tpu.memref_slice %arg7[%add3A_15, %dma_wait3A_34] : memref<10112x16xf32, #tpu.memory_space<vmem_shared>> -> memref<312x16xf32, #tpu.memory_space<vmem_shared>>
      %dma_wait3A_36 = arith.constant 0 : i32
      %dma_wait3A_37 = tpu.memref_slice %arg7[%add3A_15, %dma_wait3A_36] : memref<10112x16xf32, #tpu.memory_space<vmem_shared>> -> memref<312x16xf32, #tpu.memory_space<vmem_shared>>
      %dma_wait3A_38 = arith.constant 0 : i32
      %dma_wait3A_39 = arith.constant 0 : i32
      %dma_wait3A_40 = tpu.memref_slice %arg6[%dma_wait3A_38, %dma_wait3A_39] : memref<320x16xf32, #tpu.memory_space<vmem>> -> memref<312x16xf32, #tpu.memory_space<vmem>>
      tpu.wait_dma2 semaphore(%run_scoped3A : memref<!tpu.dma_semaphore, #tpu.memory_space<semaphore_mem>>) src(%dma_wait3A_40 : memref<312x16xf32, #tpu.memory_space<vmem>>) dst(%dma_wait3A_37 : memref<312x16xf32, #tpu.memory_space<vmem_shared>>)
      tpu.yield
    }) : () -> ()
    %barrier3A = arith.constant 0 : index
    tpu.barrier barrier_id(%barrier3A)
    %scan3A_16 = arith.constant 0 : i32
    %scan3A_17 = arith.constant 0 : i32
    %scan3A_18 = arith.constant 79 : i32
    %scan3A_19 = arith.addi %scan3A_17, %scan3A_18 : i32
    %scan3A_20 = arith.constant 1 : i32
    scf.for %scan3A_23 = %scan3A_17 to %scan3A_19 step %scan3A_20  : i32 {
      "tpu.region"() ({
        %run_scoped3A = tpu.sem_alloc : memref<!tpu.dma_semaphore, #tpu.memory_space<semaphore_mem>>
        %dma_start3A = arith.constant 0 : i32
        %dma_start3A_24 = tpu.memref_slice %arg4[%scan3A_23, %dma_start3A] : memref<79x128xi32, #tpu.memory_space<vmem>> -> memref<1x128xi32, #tpu.memory_space<vmem>>
        %dma_start3A_25 = tpu.memref_squeeze %dma_start3A_24 : memref<1x128xi32, #tpu.memory_space<vmem>> -> memref<128xi32, #tpu.memory_space<vmem>>
        %dma_start3A_26 = arith.constant 0 : i32
        %dma_start3A_27 = arith.constant 0 : i32
        %dma_start3A_28 = tpu.memref_slice %arg7[%dma_start3A_26, %dma_start3A_27] : memref<10112x16xf32, #tpu.memory_space<vmem_shared>> -> memref<10112x16xf32, #tpu.memory_space<vmem_shared>>
        tpu.enqueue_indirect_dma source(%arg5 : memref<128x16xf32, #tpu.memory_space<vmem>>) target(%dma_start3A_28 : memref<10112x16xf32, #tpu.memory_space<vmem_shared>>) offsets(%dma_start3A_25 : memref<128xi32, #tpu.memory_space<vmem>>) semaphore(%run_scoped3A : memref<!tpu.dma_semaphore, #tpu.memory_space<semaphore_mem>>) {add = true}
        %dma_wait3A = arith.constant 0 : i32
        %dma_wait3A_29 = tpu.memref_slice %arg4[%scan3A_23, %dma_wait3A] : memref<79x128xi32, #tpu.memory_space<vmem>> -> memref<1x128xi32, #tpu.memory_space<vmem>>
        %dma_wait3A_30 = tpu.memref_squeeze %dma_wait3A_29 : memref<1x128xi32, #tpu.memory_space<vmem>> -> memref<128xi32, #tpu.memory_space<vmem>>
        %dma_wait3A_31 = arith.constant 0 : i32
        %dma_wait3A_32 = arith.constant 0 : i32
        %dma_wait3A_33 = tpu.memref_slice %arg7[%dma_wait3A_31, %dma_wait3A_32] : memref<10112x16xf32, #tpu.memory_space<vmem_shared>> -> memref<10112x16xf32, #tpu.memory_space<vmem_shared>>
        tpu.wait_indirect_dma semaphore(%run_scoped3A : memref<!tpu.dma_semaphore, #tpu.memory_space<semaphore_mem>>) src(%arg5 : memref<128x16xf32, #tpu.memory_space<vmem>>) dst(%dma_wait3A_33 : memref<10112x16xf32, #tpu.memory_space<vmem_shared>>)
        tpu.yield
      }) : () -> ()
    }
    %scan3A_21 = arith.constant 79 : i32
    %barrier3A_22 = arith.constant 0 : index
    tpu.barrier barrier_id(%barrier3A_22)
    "tpu.region"() ({
      %run_scoped3A = tpu.sem_alloc : memref<!tpu.dma_semaphore, #tpu.memory_space<semaphore_mem>>
      %dma_start3A = arith.constant 0 : i32
      %dma_start3A_23 = tpu.memref_slice %arg3[%arg0, %mul3A_13, %dma_start3A] : memref<2x10112x16xf32, #tpu.memory_space<hbm>> -> memref<1x632x16xf32, #tpu.memory_space<hbm>>
      %dma_start3A_24 = tpu.memref_squeeze %dma_start3A_23 : memref<1x632x16xf32, #tpu.memory_space<hbm>> -> memref<632x16xf32, #tpu.memory_space<hbm>>
      %dma_start3A_25 = arith.constant 0 : i32
      %dma_start3A_26 = tpu.memref_slice %arg7[%mul3A_13, %dma_start3A_25] : memref<10112x16xf32, #tpu.memory_space<vmem_shared>> -> memref<632x16xf32, #tpu.memory_space<vmem_shared>>
      tpu.enqueue_dma source(%dma_start3A_26 : memref<632x16xf32, #tpu.memory_space<vmem_shared>>) target(%dma_start3A_24 : memref<632x16xf32, #tpu.memory_space<hbm>>) target_semaphore(%run_scoped3A : memref<!tpu.dma_semaphore, #tpu.memory_space<semaphore_mem>>)
      %dma_wait3A = arith.constant 0 : i32
      %dma_wait3A_27 = tpu.memref_slice %arg3[%arg0, %mul3A_13, %dma_wait3A] : memref<2x10112x16xf32, #tpu.memory_space<hbm>> -> memref<1x632x16xf32, #tpu.memory_space<hbm>>
      %dma_wait3A_28 = tpu.memref_squeeze %dma_wait3A_27 : memref<1x632x16xf32, #tpu.memory_space<hbm>> -> memref<632x16xf32, #tpu.memory_space<hbm>>
      %dma_wait3A_29 = arith.constant 0 : i32
      %dma_wait3A_30 = tpu.memref_slice %arg7[%mul3A_13, %dma_wait3A_29] : memref<10112x16xf32, #tpu.memory_space<vmem_shared>> -> memref<632x16xf32, #tpu.memory_space<vmem_shared>>
      tpu.wait_dma2 semaphore(%run_scoped3A : memref<!tpu.dma_semaphore, #tpu.memory_space<semaphore_mem>>) src(%dma_wait3A_30 : memref<632x16xf32, #tpu.memory_space<vmem_shared>>) dst(%dma_wait3A_28 : memref<632x16xf32, #tpu.memory_space<hbm>>)
      tpu.yield
    }) : () -> ()
    return
  }
}

module attributes {stable_mosaic.version = 14 : i64} {
  func.func @_tc_pre_body(%arg0: memref<2x10112x16xf32, #tpu.memory_space<vmem>>, %arg1: memref<10000x128xf32, #tpu.memory_space<vmem>>, %arg2: memref<128x128xf32, #tpu.memory_space<vmem>>, %arg3: memref<4x10112x32xf32, #tpu.memory_space<vmem>>, %arg4: memref<10112x1xf32, #tpu.memory_space<vmem>>) attributes {dimension_semantics = [], scalar_prefetch = 0 : i64, scratch_operands = 0 : i64, tpu.core_type = #tpu.core_type<tc>} {
    %get3A = arith.constant 0 : index
    %get3A_0 = arith.constant 0 : index
    %get3A_1 = arith.constant 0 : index
    %get3A_2 = vector.load %arg0[%get3A, %get3A_0, %get3A_1] : memref<2x10112x16xf32, #tpu.memory_space<vmem>>, vector<1x10112x1xf32>
    %get3A_3 = vector.shape_cast %get3A_2 : vector<1x10112x1xf32> to vector<10112x1xf32>
    %add3A = arith.constant 1.000000e+00 : f32
    %add3A_4 = vector.broadcast %add3A : f32 to vector<10112x1xf32>
    %add3A_5 = arith.addf %add3A_4, %get3A_3 : vector<10112x1xf32>
    %get3A_6 = arith.constant 1 : index
    %get3A_7 = arith.constant 0 : index
    %get3A_8 = arith.constant 0 : index
    %get3A_9 = vector.load %arg0[%get3A_6, %get3A_7, %get3A_8] : memref<2x10112x16xf32, #tpu.memory_space<vmem>>, vector<1x10112x1xf32>
    %get3A_10 = vector.shape_cast %get3A_9 : vector<1x10112x1xf32> to vector<10112x1xf32>
    %add3A_11 = arith.addf %add3A_5, %get3A_10 : vector<10112x1xf32>
    %sqrt3A = math.sqrt %add3A_11 : vector<10112x1xf32>
    %div3A = arith.constant 1.000000e+00 : f32
    %div3A_12 = vector.broadcast %div3A : f32 to vector<10112x1xf32>
    %div3A_13 = arith.divf %div3A_12, %sqrt3A : vector<10112x1xf32>
    %get3A_14 = arith.constant 0 : index
    %get3A_15 = arith.constant 0 : index
    %get3A_16 = vector.load %arg1[%get3A_14, %get3A_15] : memref<10000x128xf32, #tpu.memory_space<vmem>>, vector<10000x128xf32>
    %get3A_17 = arith.constant 0 : index
    %get3A_18 = arith.constant 0 : index
    %get3A_19 = vector.load %arg2[%get3A_17, %get3A_18] : memref<128x128xf32, #tpu.memory_space<vmem>>, vector<128x128xf32>
    %dot_general3A = arith.constant dense<0.000000e+00> : vector<10000x128xf32>
    %dot_general3A_20 = tpu.matmul %get3A_16, %get3A_19, %dot_general3A {dimension_numbers = #tpu.dot_dimension_numbers<[1], [0], [0], [1], [0, 0, 1, 1], [], []>, transpose_lhs_hint = false} : vector<10000x128xf32>, vector<128x128xf32>, vector<10000x128xf32> -> vector<10000x128xf32>
    %slice3A = vector.extract_strided_slice %div3A_13 {offsets = [0, 0], sizes = [10000, 1], strides = [1, 1]} : vector<10112x1xf32> to vector<10000x1xf32>
    %mul3A = vector.broadcast %slice3A : vector<10000x1xf32> to vector<10000x128xf32>
    %mul3A_21 = arith.mulf %mul3A, %dot_general3A_20 : vector<10000x128xf32>
    %slice3A_22 = vector.extract_strided_slice %mul3A_21 {offsets = [0, 0], sizes = [10000, 32], strides = [1, 1]} : vector<10000x128xf32> to vector<10000x32xf32>
    %swap3A = arith.constant 0 : index
    %swap3A_23 = arith.constant 0 : index
    %swap3A_24 = arith.constant 0 : index
    %swap3A_25 = vector.load %arg3[%swap3A, %swap3A_23, %swap3A_24] : memref<4x10112x32xf32, #tpu.memory_space<vmem>>, vector<1x10000x32xf32>
    %swap3A_26 = vector.shape_cast %swap3A_25 : vector<1x10000x32xf32> to vector<10000x32xf32>
    %swap3A_27 = vector.shape_cast %slice3A_22 : vector<10000x32xf32> to vector<1x10000x32xf32>
    tpu.vector_store %arg3[%swap3A, %swap3A_23, %swap3A_24], %swap3A_27 {strides = array<i32>} : memref<4x10112x32xf32, #tpu.memory_space<vmem>>, vector<1x10000x32xf32>,
    %slice3A_28 = vector.extract_strided_slice %mul3A_21 {offsets = [0, 32], sizes = [10000, 32], strides = [1, 1]} : vector<10000x128xf32> to vector<10000x32xf32>
    %swap3A_29 = arith.constant 1 : index
    %swap3A_30 = arith.constant 0 : index
    %swap3A_31 = arith.constant 0 : index
    %swap3A_32 = vector.load %arg3[%swap3A_29, %swap3A_30, %swap3A_31] : memref<4x10112x32xf32, #tpu.memory_space<vmem>>, vector<1x10000x32xf32>
    %swap3A_33 = vector.shape_cast %swap3A_32 : vector<1x10000x32xf32> to vector<10000x32xf32>
    %swap3A_34 = vector.shape_cast %slice3A_28 : vector<10000x32xf32> to vector<1x10000x32xf32>
    tpu.vector_store %arg3[%swap3A_29, %swap3A_30, %swap3A_31], %swap3A_34 {strides = array<i32>} : memref<4x10112x32xf32, #tpu.memory_space<vmem>>, vector<1x10000x32xf32>,
    %slice3A_35 = vector.extract_strided_slice %mul3A_21 {offsets = [0, 64], sizes = [10000, 32], strides = [1, 1]} : vector<10000x128xf32> to vector<10000x32xf32>
    %swap3A_36 = arith.constant 2 : index
    %swap3A_37 = arith.constant 0 : index
    %swap3A_38 = arith.constant 0 : index
    %swap3A_39 = vector.load %arg3[%swap3A_36, %swap3A_37, %swap3A_38] : memref<4x10112x32xf32, #tpu.memory_space<vmem>>, vector<1x10000x32xf32>
    %swap3A_40 = vector.shape_cast %swap3A_39 : vector<1x10000x32xf32> to vector<10000x32xf32>
    %swap3A_41 = vector.shape_cast %slice3A_35 : vector<10000x32xf32> to vector<1x10000x32xf32>
    tpu.vector_store %arg3[%swap3A_36, %swap3A_37, %swap3A_38], %swap3A_41 {strides = array<i32>} : memref<4x10112x32xf32, #tpu.memory_space<vmem>>, vector<1x10000x32xf32>,
    %slice3A_42 = vector.extract_strided_slice %mul3A_21 {offsets = [0, 96], sizes = [10000, 32], strides = [1, 1]} : vector<10000x128xf32> to vector<10000x32xf32>
    %swap3A_43 = arith.constant 3 : index
    %swap3A_44 = arith.constant 0 : index
    %swap3A_45 = arith.constant 0 : index
    %swap3A_46 = vector.load %arg3[%swap3A_43, %swap3A_44, %swap3A_45] : memref<4x10112x32xf32, #tpu.memory_space<vmem>>, vector<1x10000x32xf32>
    %swap3A_47 = vector.shape_cast %swap3A_46 : vector<1x10000x32xf32> to vector<10000x32xf32>
    %swap3A_48 = vector.shape_cast %slice3A_42 : vector<10000x32xf32> to vector<1x10000x32xf32>
    tpu.vector_store %arg3[%swap3A_43, %swap3A_44, %swap3A_45], %swap3A_48 {strides = array<i32>} : memref<4x10112x32xf32, #tpu.memory_space<vmem>>, vector<1x10000x32xf32>,
    %swap3A_49 = arith.constant 0 : index
    %swap3A_50 = arith.constant 0 : index
    %swap3A_51 = vector.load %arg4[%swap3A_49, %swap3A_50] : memref<10112x1xf32, #tpu.memory_space<vmem>>, vector<10112x1xf32>
    tpu.vector_store %arg4[%swap3A_49, %swap3A_50], %div3A_13 {strides = array<i32>} : memref<10112x1xf32, #tpu.memory_space<vmem>>, vector<10112x1xf32>,
    return
  }
}

module attributes {stable_mosaic.version = 14 : i64} {
  func.func @_tc_step_body(%arg0: i32, %arg1: memref<4x1264x32xf32, #tpu.memory_space<vmem>>, %arg2: memref<4x1264x32xf32, #tpu.memory_space<vmem>>, %arg3: memref<1264x1xf32, #tpu.memory_space<vmem>>, %arg4: memref<1x128xf32, #tpu.memory_space<vmem>>, %arg5: memref<128x128xf32, #tpu.memory_space<vmem>>, %arg6: memref<4x1264x32xf32, #tpu.memory_space<vmem>>) attributes {dimension_semantics = [#tpu.dimension_semantics<arbitrary>], iteration_bounds = array<i64: 8>, scalar_prefetch = 0 : i64, scratch_operands = 0 : i64, tpu.core_type = #tpu.core_type<tc>, window_params = [{transform_indices = @transform_0, window_bounds = array<i64: 4, 1264, 32>}, {transform_indices = @transform_1, window_bounds = array<i64: 4, 1264, 32>}, {transform_indices = @transform_2, window_bounds = array<i64: 1264, 1>}, {pipeline_mode = #tpu.pipeline_mode<synchronous>, transform_indices = @transform_3, window_bounds = array<i64: 1, 128>}, {pipeline_mode = #tpu.pipeline_mode<synchronous>, transform_indices = @transform_4, window_bounds = array<i64: 128, 128>}, {transform_indices = @transform_5, window_bounds = array<i64: 4, 1264, 32>}]} {
    %get3A = arith.constant 0 : index
    %get3A_0 = arith.constant 0 : index
    %get3A_1 = vector.load %arg3[%get3A, %get3A_0] : memref<1264x1xf32, #tpu.memory_space<vmem>>, vector<1264x1xf32>
    %broadcast_in_dim3A = arith.constant 0.000000e+00 : f32
    %broadcast_in_dim3A_2 = vector.broadcast %broadcast_in_dim3A : f32 to vector<1264x128xf32>
    %get3A_3 = arith.constant 0 : index
    %get3A_4 = arith.constant 0 : index
    %get3A_5 = arith.constant 0 : index
    %get3A_6 = vector.load %arg1[%get3A_3, %get3A_4, %get3A_5] : memref<4x1264x32xf32, #tpu.memory_space<vmem>>, vector<1x1264x32xf32>
    %get3A_7 = vector.shape_cast %get3A_6 : vector<1x1264x32xf32> to vector<1264x32xf32>
    %get3A_8 = arith.constant 0 : index
    %get3A_9 = arith.constant 0 : index
    %get3A_10 = arith.constant 0 : index
    %get3A_11 = vector.load %arg2[%get3A_8, %get3A_9, %get3A_10] : memref<4x1264x32xf32, #tpu.memory_space<vmem>>, vector<1x1264x32xf32>
    %get3A_12 = vector.shape_cast %get3A_11 : vector<1x1264x32xf32> to vector<1264x32xf32>
    %add3A = arith.addf %get3A_7, %get3A_12 : vector<1264x32xf32>
    %mul3A = vector.broadcast %get3A_1 : vector<1264x1xf32> to vector<1264x32xf32>
    %mul3A_13 = arith.mulf %mul3A, %add3A : vector<1264x32xf32>
    %get3A_14 = arith.constant 0 : index
    %get3A_15 = arith.constant 0 : index
    %get3A_16 = vector.load %arg4[%get3A_14, %get3A_15] : memref<1x128xf32, #tpu.memory_space<vmem>>, vector<1x32xf32>
    %add3A_17 = vector.broadcast %get3A_16 : vector<1x32xf32> to vector<1264x32xf32>
    %add3A_18 = arith.addf %mul3A_13, %add3A_17 : vector<1264x32xf32>
    %max3A = arith.constant 0.000000e+00 : f32
    %max3A_19 = vector.broadcast %max3A : f32 to vector<1264x32xf32>
    %max3A_20 = arith.maximumf %add3A_18, %max3A_19 : vector<1264x32xf32>
    %get3A_21 = arith.constant 0 : index
    %get3A_22 = arith.constant 0 : index
    %get3A_23 = vector.load %arg5[%get3A_21, %get3A_22] : memref<128x128xf32, #tpu.memory_space<vmem>>, vector<32x128xf32>
    %dot_general3A = arith.constant dense<0.000000e+00> : vector<1264x128xf32>
    %dot_general3A_24 = tpu.matmul %max3A_20, %get3A_23, %dot_general3A {dimension_numbers = #tpu.dot_dimension_numbers<[1], [0], [0], [1], [0, 0, 1, 1], [], []>, transpose_lhs_hint = false} : vector<1264x32xf32>, vector<32x128xf32>, vector<1264x128xf32> -> vector<1264x128xf32>
    %add3A_25 = arith.addf %broadcast_in_dim3A_2, %dot_general3A_24 : vector<1264x128xf32>
    %get3A_26 = arith.constant 1 : index
    %get3A_27 = arith.constant 0 : index
    %get3A_28 = arith.constant 0 : index
    %get3A_29 = vector.load %arg1[%get3A_26, %get3A_27, %get3A_28] : memref<4x1264x32xf32, #tpu.memory_space<vmem>>, vector<1x1264x32xf32>
    %get3A_30 = vector.shape_cast %get3A_29 : vector<1x1264x32xf32> to vector<1264x32xf32>
    %get3A_31 = arith.constant 1 : index
    %get3A_32 = arith.constant 0 : index
    %get3A_33 = arith.constant 0 : index
    %get3A_34 = vector.load %arg2[%get3A_31, %get3A_32, %get3A_33] : memref<4x1264x32xf32, #tpu.memory_space<vmem>>, vector<1x1264x32xf32>
    %get3A_35 = vector.shape_cast %get3A_34 : vector<1x1264x32xf32> to vector<1264x32xf32>
    %add3A_36 = arith.addf %get3A_30, %get3A_35 : vector<1264x32xf32>
    %mul3A_37 = vector.broadcast %get3A_1 : vector<1264x1xf32> to vector<1264x32xf32>
    %mul3A_38 = arith.mulf %mul3A_37, %add3A_36 : vector<1264x32xf32>
    %get3A_39 = arith.constant 0 : index
    %get3A_40 = arith.constant 32 : index
    %get3A_41 = vector.load %arg4[%get3A_39, %get3A_40] : memref<1x128xf32, #tpu.memory_space<vmem>>, vector<1x32xf32>
    %add3A_42 = vector.broadcast %get3A_41 : vector<1x32xf32> to vector<1264x32xf32>
    %add3A_43 = arith.addf %mul3A_38, %add3A_42 : vector<1264x32xf32>
    %max3A_44 = arith.constant 0.000000e+00 : f32
    %max3A_45 = vector.broadcast %max3A_44 : f32 to vector<1264x32xf32>
    %max3A_46 = arith.maximumf %add3A_43, %max3A_45 : vector<1264x32xf32>
    %get3A_47 = arith.constant 32 : index
    %get3A_48 = arith.constant 0 : index
    %get3A_49 = vector.load %arg5[%get3A_47, %get3A_48] : memref<128x128xf32, #tpu.memory_space<vmem>>, vector<32x128xf32>
    %dot_general3A_50 = arith.constant dense<0.000000e+00> : vector<1264x128xf32>
    %dot_general3A_51 = tpu.matmul %max3A_46, %get3A_49, %dot_general3A_50 {dimension_numbers = #tpu.dot_dimension_numbers<[1], [0], [0], [1], [0, 0, 1, 1], [], []>, transpose_lhs_hint = false} : vector<1264x32xf32>, vector<32x128xf32>, vector<1264x128xf32> -> vector<1264x128xf32>
    %add3A_52 = arith.addf %add3A_25, %dot_general3A_51 : vector<1264x128xf32>
    %get3A_53 = arith.constant 2 : index
    %get3A_54 = arith.constant 0 : index
    %get3A_55 = arith.constant 0 : index
    %get3A_56 = vector.load %arg1[%get3A_53, %get3A_54, %get3A_55] : memref<4x1264x32xf32, #tpu.memory_space<vmem>>, vector<1x1264x32xf32>
    %get3A_57 = vector.shape_cast %get3A_56 : vector<1x1264x32xf32> to vector<1264x32xf32>
    %get3A_58 = arith.constant 2 : index
    %get3A_59 = arith.constant 0 : index
    %get3A_60 = arith.constant 0 : index
    %get3A_61 = vector.load %arg2[%get3A_58, %get3A_59, %get3A_60] : memref<4x1264x32xf32, #tpu.memory_space<vmem>>, vector<1x1264x32xf32>
    %get3A_62 = vector.shape_cast %get3A_61 : vector<1x1264x32xf32> to vector<1264x32xf32>
    %add3A_63 = arith.addf %get3A_57, %get3A_62 : vector<1264x32xf32>
    %mul3A_64 = vector.broadcast %get3A_1 : vector<1264x1xf32> to vector<1264x32xf32>
    %mul3A_65 = arith.mulf %mul3A_64, %add3A_63 : vector<1264x32xf32>
    %get3A_66 = arith.constant 0 : index
    %get3A_67 = arith.constant 64 : index
    %get3A_68 = vector.load %arg4[%get3A_66, %get3A_67] : memref<1x128xf32, #tpu.memory_space<vmem>>, vector<1x32xf32>
    %add3A_69 = vector.broadcast %get3A_68 : vector<1x32xf32> to vector<1264x32xf32>
    %add3A_70 = arith.addf %mul3A_65, %add3A_69 : vector<1264x32xf32>
    %max3A_71 = arith.constant 0.000000e+00 : f32
    %max3A_72 = vector.broadcast %max3A_71 : f32 to vector<1264x32xf32>
    %max3A_73 = arith.maximumf %add3A_70, %max3A_72 : vector<1264x32xf32>
    %get3A_74 = arith.constant 64 : index
    %get3A_75 = arith.constant 0 : index
    %get3A_76 = vector.load %arg5[%get3A_74, %get3A_75] : memref<128x128xf32, #tpu.memory_space<vmem>>, vector<32x128xf32>
    %dot_general3A_77 = arith.constant dense<0.000000e+00> : vector<1264x128xf32>
    %dot_general3A_78 = tpu.matmul %max3A_73, %get3A_76, %dot_general3A_77 {dimension_numbers = #tpu.dot_dimension_numbers<[1], [0], [0], [1], [0, 0, 1, 1], [], []>, transpose_lhs_hint = false} : vector<1264x32xf32>, vector<32x128xf32>, vector<1264x128xf32> -> vector<1264x128xf32>
    %add3A_79 = arith.addf %add3A_52, %dot_general3A_78 : vector<1264x128xf32>
    %get3A_80 = arith.constant 3 : index
    %get3A_81 = arith.constant 0 : index
    %get3A_82 = arith.constant 0 : index
    %get3A_83 = vector.load %arg1[%get3A_80, %get3A_81, %get3A_82] : memref<4x1264x32xf32, #tpu.memory_space<vmem>>, vector<1x1264x32xf32>
    %get3A_84 = vector.shape_cast %get3A_83 : vector<1x1264x32xf32> to vector<1264x32xf32>
    %get3A_85 = arith.constant 3 : index
    %get3A_86 = arith.constant 0 : index
    %get3A_87 = arith.constant 0 : index
    %get3A_88 = vector.load %arg2[%get3A_85, %get3A_86, %get3A_87] : memref<4x1264x32xf32, #tpu.memory_space<vmem>>, vector<1x1264x32xf32>
    %get3A_89 = vector.shape_cast %get3A_88 : vector<1x1264x32xf32> to vector<1264x32xf32>
    %add3A_90 = arith.addf %get3A_84, %get3A_89 : vector<1264x32xf32>
    %mul3A_91 = vector.broadcast %get3A_1 : vector<1264x1xf32> to vector<1264x32xf32>
    %mul3A_92 = arith.mulf %mul3A_91, %add3A_90 : vector<1264x32xf32>
    %get3A_93 = arith.constant 0 : index
    %get3A_94 = arith.constant 96 : index
    %get3A_95 = vector.load %arg4[%get3A_93, %get3A_94] : memref<1x128xf32, #tpu.memory_space<vmem>>, vector<1x32xf32>
    %add3A_96 = vector.broadcast %get3A_95 : vector<1x32xf32> to vector<1264x32xf32>
    %add3A_97 = arith.addf %mul3A_92, %add3A_96 : vector<1264x32xf32>
    %max3A_98 = arith.constant 0.000000e+00 : f32
    %max3A_99 = vector.broadcast %max3A_98 : f32 to vector<1264x32xf32>
    %max3A_100 = arith.maximumf %add3A_97, %max3A_99 : vector<1264x32xf32>
    %get3A_101 = arith.constant 96 : index
    %get3A_102 = arith.constant 0 : index
    %get3A_103 = vector.load %arg5[%get3A_101, %get3A_102] : memref<128x128xf32, #tpu.memory_space<vmem>>, vector<32x128xf32>
    %dot_general3A_104 = arith.constant dense<0.000000e+00> : vector<1264x128xf32>
    %dot_general3A_105 = tpu.matmul %max3A_100, %get3A_103, %dot_general3A_104 {dimension_numbers = #tpu.dot_dimension_numbers<[1], [0], [0], [1], [0, 0, 1, 1], [], []>, transpose_lhs_hint = false} : vector<1264x32xf32>, vector<32x128xf32>, vector<1264x128xf32> -> vector<1264x128xf32>
    %add3A_106 = arith.addf %add3A_79, %dot_general3A_105 : vector<1264x128xf32>
    %mul3A_107 = vector.broadcast %get3A_1 : vector<1264x1xf32> to vector<1264x128xf32>
    %mul3A_108 = arith.mulf %mul3A_107, %add3A_106 : vector<1264x128xf32>
    %slice3A = vector.extract_strided_slice %mul3A_108 {offsets = [0, 0], sizes = [1264, 32], strides = [1, 1]} : vector<1264x128xf32> to vector<1264x32xf32>
    %swap3A = arith.constant 0 : index
    %swap3A_109 = arith.constant 0 : index
    %swap3A_110 = arith.constant 0 : index
    %swap3A_111 = vector.load %arg6[%swap3A, %swap3A_109, %swap3A_110] : memref<4x1264x32xf32, #tpu.memory_space<vmem>>, vector<1x1264x32xf32>
    %swap3A_112 = vector.shape_cast %swap3A_111 : vector<1x1264x32xf32> to vector<1264x32xf32>
    %swap3A_113 = vector.shape_cast %slice3A : vector<1264x32xf32> to vector<1x1264x32xf32>
    tpu.vector_store %arg6[%swap3A, %swap3A_109, %swap3A_110], %swap3A_113 {strides = array<i32>} : memref<4x1264x32xf32, #tpu.memory_space<vmem>>, vector<1x1264x32xf32>,
    %slice3A_114 = vector.extract_strided_slice %mul3A_108 {offsets = [0, 32], sizes = [1264, 32], strides = [1, 1]} : vector<1264x128xf32> to vector<1264x32xf32>
    %swap3A_115 = arith.constant 1 : index
    %swap3A_116 = arith.constant 0 : index
    %swap3A_117 = arith.constant 0 : index
    %swap3A_118 = vector.load %arg6[%swap3A_115, %swap3A_116, %swap3A_117] : memref<4x1264x32xf32, #tpu.memory_space<vmem>>, vector<1x1264x32xf32>
    %swap3A_119 = vector.shape_cast %swap3A_118 : vector<1x1264x32xf32> to vector<1264x32xf32>
    %swap3A_120 = vector.shape_cast %slice3A_114 : vector<1264x32xf32> to vector<1x1264x32xf32>
    tpu.vector_store %arg6[%swap3A_115, %swap3A_116, %swap3A_117], %swap3A_120 {strides = array<i32>} : memref<4x1264x32xf32, #tpu.memory_space<vmem>>, vector<1x1264x32xf32>,
    %slice3A_121 = vector.extract_strided_slice %mul3A_108 {offsets = [0, 64], sizes = [1264, 32], strides = [1, 1]} : vector<1264x128xf32> to vector<1264x32xf32>
    %swap3A_122 = arith.constant 2 : index
    %swap3A_123 = arith.constant 0 : index
    %swap3A_124 = arith.constant 0 : index
    %swap3A_125 = vector.load %arg6[%swap3A_122, %swap3A_123, %swap3A_124] : memref<4x1264x32xf32, #tpu.memory_space<vmem>>, vector<1x1264x32xf32>
    %swap3A_126 = vector.shape_cast %swap3A_125 : vector<1x1264x32xf32> to vector<1264x32xf32>
    %swap3A_127 = vector.shape_cast %slice3A_121 : vector<1264x32xf32> to vector<1x1264x32xf32>
    tpu.vector_store %arg6[%swap3A_122, %swap3A_123, %swap3A_124], %swap3A_127 {strides = array<i32>} : memref<4x1264x32xf32, #tpu.memory_space<vmem>>, vector<1x1264x32xf32>,
    %slice3A_128 = vector.extract_strided_slice %mul3A_108 {offsets = [0, 96], sizes = [1264, 32], strides = [1, 1]} : vector<1264x128xf32> to vector<1264x32xf32>
    %swap3A_129 = arith.constant 3 : index
    %swap3A_130 = arith.constant 0 : index
    %swap3A_131 = arith.constant 0 : index
    %swap3A_132 = vector.load %arg6[%swap3A_129, %swap3A_130, %swap3A_131] : memref<4x1264x32xf32, #tpu.memory_space<vmem>>, vector<1x1264x32xf32>
    %swap3A_133 = vector.shape_cast %swap3A_132 : vector<1x1264x32xf32> to vector<1264x32xf32>
    %swap3A_134 = vector.shape_cast %slice3A_128 : vector<1264x32xf32> to vector<1x1264x32xf32>
    tpu.vector_store %arg6[%swap3A_129, %swap3A_130, %swap3A_131], %swap3A_134 {strides = array<i32>} : memref<4x1264x32xf32, #tpu.memory_space<vmem>>, vector<1x1264x32xf32>,
    return
  }
  func.func @transform_0(%arg0: i32) -> (i32, i32, i32) {
    %c0_i32 = arith.constant 0 : i32
    %c0_i32_0 = arith.constant 0 : i32
    %c0_i32_1 = arith.constant 0 : i32
    return %c0_i32, %arg0, %c0_i32_0 : i32, i32, i32
  }
  func.func @transform_1(%arg0: i32) -> (i32, i32, i32) {
    %c0_i32 = arith.constant 0 : i32
    %c0_i32_0 = arith.constant 0 : i32
    %c0_i32_1 = arith.constant 0 : i32
    return %c0_i32, %arg0, %c0_i32_0 : i32, i32, i32
  }
  func.func @transform_2(%arg0: i32) -> (i32, i32) {
    %c0_i32 = arith.constant 0 : i32
    %c0_i32_0 = arith.constant 0 : i32
    return %arg0, %c0_i32 : i32, i32
  }
  func.func @transform_3(%arg0: i32) -> (i32, i32) {
    %c0_i32 = arith.constant 0 : i32
    %c0_i32_0 = arith.constant 0 : i32
    %c0_i32_1 = arith.constant 0 : i32
    return %c0_i32, %c0_i32_0 : i32, i32
  }
  func.func @transform_4(%arg0: i32) -> (i32, i32) {
    %c0_i32 = arith.constant 0 : i32
    %c0_i32_0 = arith.constant 0 : i32
    %c0_i32_1 = arith.constant 0 : i32
    return %c0_i32, %c0_i32_0 : i32, i32
  }
  func.func @transform_5(%arg0: i32) -> (i32, i32, i32) {
    %c0_i32 = arith.constant 0 : i32
    %c0_i32_0 = arith.constant 0 : i32
    %c0_i32_1 = arith.constant 0 : i32
    return %c0_i32, %arg0, %c0_i32_0 : i32, i32, i32
  }
}

module attributes {stable_mosaic.version = 14 : i64} {
  func.func @_tc_fin_body(%arg0: memref<4x10112x32xf32, #tpu.memory_space<vmem>>, %arg1: memref<10112x1xf32, #tpu.memory_space<vmem>>, %arg2: memref<64x32xf32, #tpu.memory_space<vmem>>, %arg3: memref<1x32xf32, #tpu.memory_space<vmem>>, %arg4: memref<32x64xf32, #tpu.memory_space<vmem>>, %arg5: memref<1x64xf32, #tpu.memory_space<vmem>>, %arg6: memref<1x64xf32, #tpu.memory_space<vmem>>) attributes {dimension_semantics = [], scalar_prefetch = 0 : i64, scratch_operands = 0 : i64, tpu.core_type = #tpu.core_type<tc>} {
    %get3A = arith.constant 0 : index
    %get3A_0 = arith.constant 0 : index
    %get3A_1 = arith.constant 0 : index
    %get3A_2 = vector.load %arg0[%get3A, %get3A_0, %get3A_1] : memref<4x10112x32xf32, #tpu.memory_space<vmem>>, vector<1x10000x32xf32>
    %get3A_3 = vector.shape_cast %get3A_2 : vector<1x10000x32xf32> to vector<10000x32xf32>
    %get3A_4 = arith.constant 1 : index
    %get3A_5 = arith.constant 0 : index
    %get3A_6 = arith.constant 0 : index
    %get3A_7 = vector.load %arg0[%get3A_4, %get3A_5, %get3A_6] : memref<4x10112x32xf32, #tpu.memory_space<vmem>>, vector<1x10000x32xf32>
    %get3A_8 = vector.shape_cast %get3A_7 : vector<1x10000x32xf32> to vector<10000x32xf32>
    %concatenate3A = tpu.concatenate %get3A_3, %get3A_8 in 1 : vector<10000x32xf32>, vector<10000x32xf32> -> vector<10000x64xf32>
    %get3A_9 = arith.constant 0 : index
    %get3A_10 = arith.constant 0 : index
    %get3A_11 = vector.load %arg1[%get3A_9, %get3A_10] : memref<10112x1xf32, #tpu.memory_space<vmem>>, vector<10000x1xf32>
    %div3A = vector.broadcast %get3A_11 : vector<10000x1xf32> to vector<10000x64xf32>
    %div3A_12 = arith.divf %concatenate3A, %div3A : vector<10000x64xf32>
    %reduce_sum3A = arith.constant dense<0.000000e+00> : vector<64xf32>
    %reduce_sum3A_13 = vector.multi_reduction <add>, %div3A_12, %reduce_sum3A [0] : vector<10000x64xf32> to vector<64xf32>
    %broadcast_in_dim3A = vector.shape_cast %reduce_sum3A_13 : vector<64xf32> to vector<1x64xf32>
    %div3A_14 = arith.constant 1.000000e+04 : f32
    %div3A_15 = vector.broadcast %div3A_14 : f32 to vector<1x64xf32>
    %div3A_16 = arith.divf %broadcast_in_dim3A, %div3A_15 : vector<1x64xf32>
    %get3A_17 = arith.constant 0 : index
    %get3A_18 = arith.constant 0 : index
    %get3A_19 = vector.load %arg2[%get3A_17, %get3A_18] : memref<64x32xf32, #tpu.memory_space<vmem>>, vector<64x32xf32>
    %dot_general3A = arith.constant dense<0.000000e+00> : vector<1x32xf32>
    %dot_general3A_20 = tpu.matmul %div3A_16, %get3A_19, %dot_general3A {dimension_numbers = #tpu.dot_dimension_numbers<[1], [0], [0], [1], [0, 0, 1, 1], [], []>, transpose_lhs_hint = false} : vector<1x64xf32>, vector<64x32xf32>, vector<1x32xf32> -> vector<1x32xf32>
    %get3A_21 = arith.constant 0 : index
    %get3A_22 = arith.constant 0 : index
    %get3A_23 = vector.load %arg3[%get3A_21, %get3A_22] : memref<1x32xf32, #tpu.memory_space<vmem>>, vector<1x32xf32>
    %add3A = arith.addf %dot_general3A_20, %get3A_23 : vector<1x32xf32>
    %max3A = arith.constant 0.000000e+00 : f32
    %max3A_24 = vector.broadcast %max3A : f32 to vector<1x32xf32>
    %max3A_25 = arith.maximumf %add3A, %max3A_24 : vector<1x32xf32>
    %get3A_26 = arith.constant 0 : index
    %get3A_27 = arith.constant 0 : index
    %get3A_28 = vector.load %arg4[%get3A_26, %get3A_27] : memref<32x64xf32, #tpu.memory_space<vmem>>, vector<32x64xf32>
    %dot_general3A_29 = arith.constant dense<0.000000e+00> : vector<1x64xf32>
    %dot_general3A_30 = tpu.matmul %max3A_25, %get3A_28, %dot_general3A_29 {dimension_numbers = #tpu.dot_dimension_numbers<[1], [0], [0], [1], [0, 0, 1, 1], [], []>, transpose_lhs_hint = false} : vector<1x32xf32>, vector<32x64xf32>, vector<1x64xf32> -> vector<1x64xf32>
    %get3A_31 = arith.constant 0 : index
    %get3A_32 = arith.constant 0 : index
    %get3A_33 = vector.load %arg5[%get3A_31, %get3A_32] : memref<1x64xf32, #tpu.memory_space<vmem>>, vector<1x64xf32>
    %add3A_34 = arith.addf %dot_general3A_30, %get3A_33 : vector<1x64xf32>
    %swap3A = arith.constant 0 : index
    %swap3A_35 = arith.constant 0 : index
    %swap3A_36 = vector.load %arg6[%swap3A, %swap3A_35] : memref<1x64xf32, #tpu.memory_space<vmem>>, vector<1x64xf32>
    tpu.vector_store %arg6[%swap3A, %swap3A_35], %add3A_34 {strides = array<i32>} : memref<1x64xf32, #tpu.memory_space<vmem>>, vector<1x64xf32>,
    return
  }
}

</mosaic_0001>

<sc_bundles>
// kernel: closed_call.9.cloned.1.call-start
scs
__scs_entry_jumppad:
0x0: {  	(pc) =	sbr.rel $0x88, $3  }
0x1: {  	(tag) =	ssettag $0x0;
	lr =	simm.s32 $0x1  }
0x2: {  	[smem:$0x3F95] =	sst lr;
	_ =	strace $0xD0000000  }
0x3: {  	_ = 	snop  }
0x4: {  	_ = 	snop  }
0x5: {  	_ = 	snop  }
0x6: {  	_ = 	snop  }
0x7: {  	_ = 	snop  }
__scs_overlays_trampoline_lowered:
0x8: {  	[smem:$0x3FA4] =	sst s0  }
0x9: {  	[smem:$0x3FA5] =	sst s1  }
0xa: {  	[smem:$0x3FA6] =	sst s2  }
0xb: {  	[smem:$0x3FA7] =	sst s3  }
0xc: {  	[smem:$0x3FA8] =	sst s4  }
0xd: {  	[smem:$0x3FA9] =	sst s5  }
0xe: {  	[smem:$0x3FAA] =	sst s6  }
0xf: {  	[smem:$0x3FAB] =	sst s7  }
0x10: {  	[smem:$0x3FAC] =	sst s8  }
0x11: {  	[smem:$0x3FAD] =	sst s9;
	s0 =	simm.s32 @!p0 $0x0  }
0x12: {  	s1 =	sld [smem:$0x3F93];
	s0 =	simm.s32 @p0 $0x1  }
0x13: {  	[smem:$0x3FAE] =	sst s0;
	s0 =	simm.s32 @!p1 $0x0  }
0x14: {  	s2 =	sld [smem:$0x3F92];
	s0 =	simm.s32 @p1 $0x1  }
0x15: {  	[smem:$0x3FAF] =	sst s0;
	s0 =	simm.s32 @!p2 $0x0  }
0x16: {  	s3 =	sld [smem:$0x3FDB];
	s0 =	simm.s32 @p2 $0x1  }
0x17: {  	s4 =	simm.s32 $0x1BF5;
	[smem:$0x3FB1] =	sst s0  }
0x18: {  	s0 =	sld [smem:$0x3F94];
	_ =	swait.ge [sflag:s4], $0x0  }
0x19: {  	s7 =	sld [smem:$0x3F95]  }
0x1a: {  	s8 =	sadd.s32 $0xFFFFE003, lr  }
0x1b: {  	s9 =	sadd.s32 $0xFFFFFEF7, lr;
	s5 =	simm.s32 $0xFFFFFFFF;
	p2 =	slt.u32 s8, $0xFFFFF086  }
0x1c: {  	p1 =	slt.u32 s9, $0xF7A;
	s5 =	simm.s32 @!p2 $0x0  }
0x1d: {  	s5 =	simm.s32 @p1 $0x1;
	p0 =	seq.s32 s7, s2  }
0x1e: {  	s7 =	smul.u32 @!p0 $0xF7A, s2;
	p2 =	seq.s32 @!p0 s5, $0x0  }
0x1f: {  	s9 =	smul.u32 $0xF7A, s1;
	s8 =	simm.s32 @!p0 $0x1BF5;
	p2 =	por !p2, p0  }
0x20: {  	[sflag:s8] =	ssyncset.s32 @!p0 $0xFFFFF086;
	s6 =	sadd.s32 @!p0 s3, s7;
	s7 =	simm.s32 @!p0 $0x108  }
0x21: {  	s3 =	sadd.s32 s3, s9;
	s6 =	sadd.s32 @!p0 $0x88, s6;
	s7 =	simm.s32 @p2 $0x1082  }
0x22: {  	[simem:s7], [sflag:s8] =	dma.local @!p0 [hbm:s6], $0xF7A  }
0x23: {  	s9 =	sor.u32 $0xD0000000, s2;
	s6 =	simm.s32 $0x108;
	_ =	swait.ge @!p0 [sflag:s8], $0x0  }
0x24: {  	s3 =	sadd.s32 $0x88, s3;
	s6 =	simm.s32 @!p1 $0x1082;
	[sflag:s4] =	ssyncset.s32 $0xFFFFF086  }
0x25: {  	[simem:s6], [sflag:s4] =	dma.local [hbm:s3], $0xF7A  }
0x26: {  	[smem:$0x3F95] =	sst s1;
	(tag) =	ssettag s2;
	_ =	strace s9  }
0x27: {  	s1 =	sld [smem:$0x3FA5]  }
0x28: {  	s2 =	sld [smem:$0x3FA6]  }
0x29: {  	s4 =	sld [smem:$0x3FA8]  }
0x2a: {  	p0 =	seq.s32 s5, $0x0;
	s5 =	sld [smem:$0x3FA9]  }
0x2b: {  	s6 =	sld [smem:$0x3FAA]  }
0x2c: {  	s7 =	sld [smem:$0x3FAB]  }
0x2d: {  	s3 =	simm.s32 $0x108;
	s8 =	sld [smem:$0x3FAC]  }
0x2e: {  	s3 =	simm.s32 @!p0 $0x1082;
	s9 =	sld [smem:$0x3FAD]  }
0x2f: {  	lr =	sadd.s32 s0, s3;
	s0 =	sld [smem:$0x3FA4]  }
0x30: {  	s3 =	sld [smem:$0x3FA7]  }
0x31: {  	[smem:$0x3FB0] =	sst s10  }
0x32: {  	s10 =	sld [smem:$0x3FAE];
	_ =	sdelay $0x3  }
0x33: {  	p0 =	seq.s32 s10, $0x1;
	s10 =	sld [smem:$0x3FB0];
	_ =	sdelay $0x3  }
0x34: {  	[smem:$0x3FB0] =	sst s10  }
0x35: {  	s10 =	sld [smem:$0x3FAF];
	_ =	sdelay $0x3  }
0x36: {  	p1 =	seq.s32 s10, $0x1;
	s10 =	sld [smem:$0x3FB0];
	_ =	sdelay $0x3  }
0x37: {  	[smem:$0x3FB0] =	sst s10  }
0x38: {  	s10 =	sld [smem:$0x3FB1]  }
0x39: {  	_ = 	snop;
	(pc) =	sbr.ind lr, $3  }
0x3a: {  	_ = 	snop  }
0x3b: {  	_ = 	snop  }
0x3c: {  	p2 =	seq.s32 s10, $0x1;
	s10 =	sld [smem:$0x3FB0]  }
0x3d: {  	_ =	shalt  }
0x3e: {  	_ =	shalt  }
0x3f: {  	_ =	shalt  }
0x40: {  	_ =	shalt  }
0x41: {  	_ =	shalt  }
0x42: {  	_ =	shalt  }
0x43: {  	_ =	shalt  }
0x44: {  	_ =	shalt  }
0x45: {  	_ =	shalt  }
0x46: {  	_ =	shalt  }
0x47: {  	_ =	shalt  }
0x48: {  	_ =	shalt  }
0x49: {  	_ =	shalt  }
0x4a: {  	_ =	shalt  }
0x4b: {  	_ =	shalt  }
0x4c: {  	_ =	shalt  }
0x4d: {  	_ =	shalt  }
0x4e: {  	_ =	shalt  }
0x4f: {  	_ =	shalt  }
0x50: {  	_ =	shalt  }
0x51: {  	_ =	shalt  }
0x52: {  	_ =	shalt  }
0x53: {  	_ =	shalt  }
0x54: {  	_ =	shalt  }
0x55: {  	_ =	shalt  }
0x56: {  	_ =	shalt  }
0x57: {  	_ =	shalt  }
0x58: {  	_ =	shalt  }
0x59: {  	_ =	shalt  }
0x5a: {  	_ =	shalt  }
0x5b: {  	_ =	shalt  }
0x5c: {  	_ =	shalt  }
0x5d: {  	_ =	shalt  }
0x5e: {  	_ =	shalt  }
0x5f: {  	_ =	shalt  }
0x60: {  	_ =	shalt  }
0x61: {  	_ =	shalt  }
0x62: {  	_ =	shalt  }
0x63: {  	_ =	shalt  }
0x64: {  	_ =	shalt  }
0x65: {  	_ =	shalt  }
0x66: {  	_ =	shalt  }
0x67: {  	_ =	shalt  }
0x68: {  	_ =	shalt  }
0x69: {  	_ =	shalt  }
0x6a: {  	_ =	shalt  }
0x6b: {  	_ =	shalt  }
0x6c: {  	_ =	shalt  }
0x6d: {  	_ =	shalt  }
0x6e: {  	_ =	shalt  }
0x6f: {  	_ =	shalt  }
0x70: {  	_ =	shalt  }
0x71: {  	_ =	shalt  }
0x72: {  	_ =	shalt  }
0x73: {  	_ =	shalt  }
0x74: {  	_ =	shalt  }
0x75: {  	_ =	shalt  }
0x76: {  	_ =	shalt  }
0x77: {  	_ =	shalt  }
0x78: {  	_ =	shalt  }
0x79: {  	_ =	shalt  }
0x7a: {  	_ =	shalt  }
0x7b: {  	_ =	shalt  }
0x7c: {  	_ =	shalt  }
0x7d: {  	_ =	shalt  }
0x7e: {  	_ =	shalt  }
0x7f: {  	_ =	shalt  }
0x80: {  	_ =	shalt  }
0x81: {  	_ =	shalt  }
0x82: {  	_ =	shalt  }
0x83: {  	_ =	shalt  }
0x84: {  	_ =	shalt  }
0x85: {  	_ =	shalt  }
0x86: {  	_ =	shalt  }
0x87: {  	_ =	shalt  }
.Lfunc_end0:
.L_simem_size_0:
called_computation_lowered:
.L_overlay_start_0:
0x88: {  	s2 =	sld [smem:$0x3FD9]  }
0x89: {  	s3 =	sld [smem:$0x3FFE];
	_ =	sdelay $0x1  }
0x8a: {  	s1 =	srdreg.scid  }
0x8b: {  	s0 =	sand.u32 $0x1, s1  }
0x8c: {  	s16 =	sshll.u32 s0, $0xA;
	s2 =	sadd.s32 s3, s2  }
0x8d: {  	s2 =	sadd.s32 s2, s16  }
0x8e: {  	[smem:$0x3FBC] =	sst s2  }
0x8f: {  	_ = 	snop  }
0x90: {  	(tm) =	ssettm $0x1  }
0x91: {  	s17 =	sld [smem:$0x3FFB];
	_ =	sdelay $0x3  }
0x92: {  	_ =	strace s17  }
0x93: {  	s2 =	sld [smem:$0x3FFC];
	_ =	sdelay $0x3  }
0x94: {  	_ =	strace s2  }
0x95: {  	s2 =	sld [smem:$0x3FFD];
	_ =	sdelay $0x3  }
0x96: {  	_ =	strace s2  }
0x97: {  	_ =	strace $0x8FFFFFFF  }
0x98: {  	s18 =	sld [smem:$0x3FDB];
	_ =	sdelay $0x1  }
0x99: {  	s19 =	simm.s32 $_scs_section_size  }
0x9a: {  	s4 =	simm.s32 $_size__tile_overlayer_lowered;
	s5 =	simm.s32 $_tile_overlayer_lowered  }
0x9b: {  	s22 =	simm.s32 $0x1BFF;
	s21 =	sshll.u32 s5, $0x1;
	s2 =	sadd.s32 s19, s18  }
0x9c: {  	s6 =	simm.s32 $0x0;
	s20 =	sshll.u32 s4, $0x1;
	s4 =	sadd.s32 s21, s2  }
0x9d: {  	[timem:s6], [sflag:s22] =	dma.local [hbm:s4], s20  }
0x9e: {  	_ =	swait.ge [sflag:s22], s20  }
0x9f: {  	s3 =	ssub.s32 $0x0, s20;
	[sflag:s22] =	ssyncset.done $0x0  }
0xa0: {  	[sflag:s22] =	ssyncadd.s32 s3;
	_ =	sdelay $0x1  }
0xa1: {  	s23 =	simm.s32 $0x1B8B  }
0xa2: {  	_ =	swait.ge [sflag:s23], $0x1  }
0xa3: {  	[sflag:s23] =	ssyncset.done $0x0  }
0xa4: {  	s25 =	simm.s32 $0x1B8E;
	s24 =	sld [smem:$0x3FFE];
	[sflag:s23] =	ssyncadd.s32 $0xFFFFFFFF  }
0xa5: {  	s26 =	simm.s32 $execute0_lowered;
	[smem:$0x3FD2] =	sst s25  }
0xa6: {  	s4 =	sshll.u32 s26, $0x1;
	_ =	strace $0x80000049;
	[dreg:$0x1] =	wrdreg $0xFFFFFFFF  }
0xa7: {  	s28 =	simm.s32 $_size_execute0_lowered;
	s2 =	sadd.s32 s2, s4;
	[dreg:$0x0] =	wrdreg $0x0  }
0xa8: {  	s4 =	sshll.u32 s28, $0x1;
	[dreg:$0x2] =	wrdreg s2  }
0xa9: {  	[dreg:$0x3] =	wrdreg s4  }
0xaa: {  	[dreg:$0x4] =	wrdreg $0xC0  }
0xab: {  	_ =	task [dreg:s6], $0x5FFFF  }
0xac: {  	[dreg:$0x1] =	wrdreg $0xFFFFFFFF  }
0xad: {  	[dreg:$0x0] =	wrdreg $0x60  }
0xae: {  	[dreg:$0x2] =	wrdreg s24  }
0xaf: {  	[dreg:$0x3] =	wrdreg $0x13F000  }
0xb0: {  	[dreg:$0x4] =	wrdreg $0xF0000  }
0xb1: {  	[dreg:$0x5] =	wrdreg $0x9  }
0xb2: {  	_ =	task.clear_ibuf [dreg:s6], $0x6FFFF;
	_ =	strace $0x90000049  }
0xb3: {  	s29 =	simm.s32 $0x9;
	_ =	strace $0x8000004B  }
0xb4: {  	_ =	swait.ge [sflag:s29], $0x1  }
0xb5: {  	[sflag:s29] =	ssyncadd.s32 $0xFFFFFFFF  }
0xb6: {  	_ =	strace $0x9000004B  }
0xb7: {  	_ =	sfence  }
0xb8: {  	s30 =	sld [smem:$0x0];
	_ =	sdelay $0x2  }
0xb9: {  	s31 =	sshll.u32 s1, $0xD;
	s1 =	sshrl.u32 s1, $0x2  }
0xba: {  	s3 =	sand.u32 $0x4000, s31;
	s1 =	sadd.s32 s1, s30  }
0xbb: {  	s0 =	sor.u32 s3, s0;
	s1 =	sshll.u32 s1, $0x11  }
0xbc: {  	s0 =	sor.u32 s1, s0  }
0xbd: {  	s0 =	sadd.s32 $0x8F2B, s0  }
0xbe: {  	[sflag:s0] =	ssyncadd.remote.s32 $0x1  }
0xbf: {  	_ =	sfence.sel $0xFFFF  }
0xc0: {  	[dreg:$0x0] =	wrdreg $0xFFFFFFFF;
	(pc) =	sbr.abs _section_cstart, $3  }
0xc1: {  	[dreg:$0x1] =	wrdreg $0xFFFFFFFF  }
0xc2: {  	_ =	task.clear_ibuf [dreg:s6], $0x2FFFF;
	_ =	strace $0x9FFFFFFF  }
0xc3: {  	(tm) =	ssettm $0x7FFFFFFF  }
tec
execute0_lowered:
.L_overlay_start_1:
0x0: {  	(tag) =	ssettag $0x1  }
0x1: {  	s0 =	rddreg [dreg:$0x0]  }
0x2: {  	s2 =	rddreg [dreg:$0x1];
	s8 =	stileid.u32  }
0x3: {  	s3 =	rddreg [dreg:$0x2];
	s1 =	simm.s32 $0x0;
	s19 =	smul.u32 $0xA00, s8  }
0x4: {  	s4 =	srdreg.scid;
	s28 =	simm.s32 $0x4;
	s14 =	smul.u32 $0x278, s8  }
0x5: {  	s29 =	simm.s32 $0x9E00;
	s30 =	simm.s32 $0x9F00;
	s16 =	smul.u32 $0x4F00, s8  }
0x6: {  	s31 =	simm.s32 $0x0;
	s4 =	sand.u32 $0x1, s4;
	s9 =	smul.u32 $0x13C00, s8  }
0x7: {  	[smem:$0x7FF] =	sst s1;
	s15 =	sadd.s32 $0x152400, s0;
	s6 =	smul.u32 $0x4F00, s4  }
0x8: {  	_ =	strace $0x8000004A;
	s5 =	ssub.s32 $0x2, s4;
	s18 =	smul.u32 $0x9E000, s4  }
0x9: {  	s4 =	sshllo.u32 s4, $0x1;
	s1 =	sadd.s32 s19, s0;
	s0 =	sadd.s32 $0x183C00, s0  }
0xa: {  	s7 =	sshrl.u32 s5, $0x1;
	s23 =	sshrl.u32 s9, $0x2;
	s19 =	smul.u32 $0x2780, s4  }
0xb: {  	s9 =	sadd.s32 s16, s3;
	s4 =	smul.u32 $0x4F000, s4;
	s17 =	ssub.s32 s5, s7  }
0xc: {  	s20 =	sadd.s32 s14, s6;
	s21 =	sadd.s32 $0x2400, s1;
	s6 =	sadd.s32 $0x179C00, s1  }
0xd: {  	s7 =	sadd.s32 s16, s2;
	s1 =	sadd.s32 s23, s3;
	s24 =	sadd.s32 s16, s18  }
0xe: {  	s18 =	simm.s32 $0x5;
	s23 =	simm.s32 $0xC000;
	[dreg:$0x4] =	wrdreg s21  }
0xf: {  	s22 =	sshll.u32 s20, $0x2;
	s10 =	sadd.s32 $0x1000, s1;
	s11 =	sadd.s32 $0x2000, s1  }
0x10: {  	s12 =	sadd.s32 $0x3000, s1;
	s13 =	sadd.s32 $0x4000, s1;
	s14 =	sadd.s32 s14, s19  }
0x11: {  	s1 =	sshrl.u32 s24, $0x3;
	s4 =	sadd.s32 s16, s4;
	s17 =	smax.u32 s17, $0x1  }
0x12: {  	s20 =	simm.s32 $0xE000;
	s21 =	simm.s32 $0x100;
	s24 =	simm.s32 $0x1  }
0x13: {  	s8 =	sadd.s32 s15, s22;
	s25 =	sshll.u32 s14, $0x2;
	s14 =	sadd.s32 s0, s1  }
0x14: {  	s26 =	sshrl.u32 s4, $0x3;
	s22 =	simm.s32 $0xA000;
	s15 =	sadd.s32 s15, s25  }
0x15: {  	v0 =	vimm.f32 $0.0e+00;
	s16 =	sadd.s32 s0, s26;
	s25 =	simm.s32 $0x2;
	s26 =	simm.s32 $0x3  }
.LBB2_1:
0x16: {  	s0 =	simm.s32 $0x0;
	s1 =	rddreg [dreg:$0x4]  }
0x17: {  	[tilespmem:s0], [sflag:$0x5] =	stream.linear.gather [hbm4b:s1+s0], $0x5000, $0x38;
	[tilespmem:$0x18E00] =	vst v63  }
0x18: {  	_ =	swait.ge [sflag:s18], $0x5000  }
0x19: {  	[sflag:s18] =	ssyncset.done $0x0  }
0x1a: {  	s19 =	simm.s32 $0x5000;
	[sflag:s18] =	ssyncadd.s32 $0xFFFFB000  }
0x1b: {  	[tilespmem:s19], [sflag:$0x5] =	stream.linear.gather [hbm4b:s6+s0], $0x5000, $0x38;
	[tilespmem:$0x18E00] =	vst v63  }
0x1c: {  	_ =	swait.ge [sflag:s18], $0x5000  }
0x1d: {  	[sflag:s18] =	ssyncset.done $0x0  }
0x1e: {  	s1 =	simm.s32 $0x0;
	s0 =	simm.s32 $0x80;
	[sflag:s18] =	ssyncadd.s32 $0xFFFFB000  }
.LBB2_2:
0x1f: {  	p0 =	sne.s32 s0, $0x3F80;
	[tilespmem:s1+$0xE000] =	vst v0;
	s4 =	smov.u32 s0;
	s0 =	sadd.s32 $0x80, s0  }
.Ltmp0:
0x20: {  	[tilespmem:s1+$0xE010] =	vst v0;
	(pc) =	sbr.rel @p0 .LBB2_2-.Ltmp0, $2  }
0x21: {  	_ =	sdelay $0x2  }
0x22: {  	s1 =	sshra.s32 s4, $0x2  }
0x23: {  	s0 =	stileid.u32  }
0x24: {  	[tilespmem:s1+$0xE000] =	vst v0;
	s0 =	sshll.u32 s0, $0x6  }
0x25: {  	[tilespmem:s1+$0xE010] =	vst v0;
	s1 =	sshrl.u32 s7, $0x3;
	s0 =	sor.u32 $0x1C05, s0  }
0x26: {  	[spmem:s1], [sflag:s0] =	dma.local [hbm:s8], $0x9E0  }
0x27: {  	_ =	swait.ge [sflag:s18], $0x9E0  }
0x28: {  	[sflag:s18] =	ssyncset.done $0x0  }
0x29: {  	[sflag:s18] =	ssyncadd.s32 $0xFFFFF620  }
0x2a: {  	[spmem:s9] =	stream.linear.scatter [tilespmem:s20], [sflag:$0x5], $0x1000, $0x38;
	[tilespmem:$0x18E00] =	vst v63  }
0x2b: {  	_ =	swait.ge [sflag:s18], $0x1000  }
0x2c: {  	[sflag:s18] =	ssyncset.done $0x0  }
0x2d: {  	[sflag:s18] =	ssyncadd.s32 $0xFFFFF000  }
0x2e: {  	[spmem:s10] =	stream.linear.scatter [tilespmem:s20], [sflag:$0x5], $0x1000, $0x38;
	[tilespmem:$0x18E00] =	vst v63  }
0x2f: {  	_ =	swait.ge [sflag:s18], $0x1000  }
0x30: {  	[sflag:s18] =	ssyncset.done $0x0  }
0x31: {  	[sflag:s18] =	ssyncadd.s32 $0xFFFFF000  }
0x32: {  	[spmem:s11] =	stream.linear.scatter [tilespmem:s20], [sflag:$0x5], $0x1000, $0x38;
	[tilespmem:$0x18E00] =	vst v63  }
0x33: {  	_ =	swait.ge [sflag:s18], $0x1000  }
0x34: {  	[sflag:s18] =	ssyncset.done $0x0  }
0x35: {  	[sflag:s18] =	ssyncadd.s32 $0xFFFFF000  }
0x36: {  	[spmem:s12] =	stream.linear.scatter [tilespmem:s20], [sflag:$0x5], $0x1000, $0x38;
	[tilespmem:$0x18E00] =	vst v63  }
0x37: {  	_ =	swait.ge [sflag:s18], $0x1000  }
0x38: {  	[sflag:s18] =	ssyncset.done $0x0  }
0x39: {  	[sflag:s18] =	ssyncadd.s32 $0xFFFFF000  }
0x3a: {  	[spmem:s13] =	stream.linear.scatter [tilespmem:s20], [sflag:$0x5], $0xF00, $0x38;
	[tilespmem:$0x18E00] =	vst v63  }
0x3b: {  	_ =	swait.ge [sflag:s18], $0xF00  }
0x3c: {  	[sflag:s18] =	ssyncset.done $0x0  }
0x3d: {  	[sflag:s18] =	ssyncadd.s32 $0xFFFFF100  }
0x3e: {  	s4 =	simm.s32 $0x0;
	[bflag:$0x0] =	sbarrier.arrive $0xFFFF  }
0x3f: {  	[tilespmem:s22], [sflag:$0x1] =	stream.indirect.gather [spmem:s2], $0x20, s4, s21, $0xb8;
	[tilespmem:$0x18E00] =	vst v63  }
0x40: {  	_ = 	snop  }
0x41: {  	[tilespmem:s23], [sflag:$0x2] =	stream.indirect.gather [spmem:s2], $0x20, s21, s21, $0xb8;
	[tilespmem:$0x18E00] =	vst v63  }
0x42: {  	_ =	swait.ge [sflag:s24], $0x2000  }
0x43: {  	[sflag:s24] =	ssyncset.done $0x0  }
0x44: {  	s19 =	simm.s32 $0x5000;
	[sflag:s24] =	ssyncadd.s32 $0xFFFFE000  }
0x45: {  	[spmem:s3] =	stream.indirect.scatter.add.f32 [tilespmem:s22], [sflag:$0x3], $0x20, s19, s21, $0xb8;
	[tilespmem:$0x18E00] =	vst v63  }
0x46: {  	_ =	swait.ge [sflag:s25], $0x2000  }
0x47: {  	[sflag:s25] =	ssyncset.done $0x0  }
0x48: {  	s5 =	simm.s32 $0x5100;
	[sflag:s25] =	ssyncadd.s32 $0xFFFFE000  }
0x49: {  	[spmem:s3] =	stream.indirect.scatter.add.f32 [tilespmem:s23], [sflag:$0x4], $0x20, s5, s21, $0xb8;
	[tilespmem:$0x18E00] =	vst v63  }
0x4a: {  	_ =	swait.ge [sflag:s26], $0x2000  }
0x4b: {  	[sflag:s26] =	ssyncset.done $0x0  }
0x4c: {  	s19 =	simm.s32 $0x200;
	[sflag:s26] =	ssyncadd.s32 $0xFFFFE000  }
0x4d: {  	[tilespmem:s22], [sflag:$0x1] =	stream.indirect.gather [spmem:s2], $0x20, s19, s21, $0xb8;
	[tilespmem:$0x18E00] =	vst v63  }
0x4e: {  	_ =	swait.ge [sflag:s28], $0x2000  }
0x4f: {  	[sflag:s28] =	ssyncset.done $0x0  }
0x50: {  	s4 =	simm.s32 $0x300;
	s19 =	simm.s32 $0x800;
	[sflag:s28] =	ssyncadd.s32 $0xFFFFE000  }
.LBB2_4:
0x51: {  	[tilespmem:s23], [sflag:$0x2] =	stream.indirect.gather [spmem:s2], $0x20, s4, s21, $0xb8;
	[tilespmem:$0x18E00] =	vst v63  }
0x52: {  	s4 =	smov.u32 s19  }
0x53: {  	p0 =	sne.s32 s19, $0x13000;
	s19 =	sadd.s32 $0x800, s19;
	_ =	swait.ge [sflag:s24], $0x2000  }
0x54: {  	s4 =	sshra.s32 s4, $0x2;
	[sflag:s24] =	ssyncset.done $0x0  }
0x55: {  	s5 =	sadd.s32 $0x5000, s4;
	[sflag:s24] =	ssyncadd.s32 $0xFFFFE000  }
0x56: {  	[spmem:s3] =	stream.indirect.scatter.add.f32 [tilespmem:s22], [sflag:$0x3], $0x20, s5, s21, $0xb8;
	[tilespmem:$0x18E00] =	vst v63  }
0x57: {  	_ =	swait.ge [sflag:s25], $0x2000  }
0x58: {  	[sflag:s25] =	ssyncset.done $0x0  }
0x59: {  	s5 =	sadd.s32 $0x5100, s4;
	[sflag:s25] =	ssyncadd.s32 $0xFFFFE000  }
0x5a: {  	[spmem:s3] =	stream.indirect.scatter.add.f32 [tilespmem:s23], [sflag:$0x4], $0x20, s5, s21, $0xb8;
	[tilespmem:$0x18E00] =	vst v63  }
0x5b: {  	_ =	swait.ge [sflag:s26], $0x2000  }
0x5c: {  	[sflag:s26] =	ssyncset.done $0x0  }
.Ltmp1:
0x5d: {  	s5 =	sadd.s32 $0x200, s4;
	[sflag:s26] =	ssyncadd.s32 $0xFFFFE000;
	(pc) =	sbr.rel @p0 .LBB2_4-.Ltmp1, $4  }
0x5e: {  	[tilespmem:s22], [sflag:$0x1] =	stream.indirect.gather [spmem:s2], $0x20, s5, s21, $0xb8;
	[tilespmem:$0x18E00] =	vst v63  }
0x5f: {  	_ =	swait.ge [sflag:s28], $0x2000  }
0x60: {  	[sflag:s28] =	ssyncset.done $0x0  }
0x61: {  	s4 =	sadd.s32 $0x300, s4;
	[sflag:s28] =	ssyncadd.s32 $0xFFFFE000  }
0x62: {  	[tilespmem:s23], [sflag:$0x2] =	stream.indirect.gather [spmem:s2], $0x20, s4, s21, $0xb8;
	[tilespmem:$0x18E00] =	vst v63  }
0x63: {  	_ =	swait.ge [sflag:s24], $0x2000  }
0x64: {  	[sflag:s24] =	ssyncset.done $0x0  }
0x65: {  	[sflag:s24] =	ssyncadd.s32 $0xFFFFE000  }
0x66: {  	[spmem:s3] =	stream.indirect.scatter.add.f32 [tilespmem:s22], [sflag:$0x3], $0x20, s29, s21, $0xb8;
	[tilespmem:$0x18E00] =	vst v63  }
0x67: {  	_ =	swait.ge [sflag:s25], $0x2000  }
0x68: {  	[sflag:s25] =	ssyncset.done $0x0  }
0x69: {  	[sflag:s25] =	ssyncadd.s32 $0xFFFFE000  }
0x6a: {  	[spmem:s3] =	stream.indirect.scatter.add.f32 [tilespmem:s23], [sflag:$0x4], $0x20, s30, s21, $0xb8;
	[tilespmem:$0x18E00] =	vst v63  }
0x6b: {  	_ =	swait.ge [sflag:s26], $0x2000  }
0x6c: {  	[sflag:s26] =	ssyncset.done $0x0  }
0x6d: {  	[sflag:s26] =	ssyncadd.s32 $0xFFFFE000  }
0x6e: {  	_ =	swait.ge [sflag:s28], $0x2000  }
0x6f: {  	[sflag:s28] =	ssyncset.done $0x0  }
0x70: {  	[sflag:s28] =	ssyncadd.s32 $0xFFFFE000  }
0x71: {  	s19 =	sshrl.u32 s9, $0x3;
	[bflag:$0x0] =	sbarrier.arrive $0xFFFF  }
0x72: {  	[hbm:s14], [sflag:s0] =	dma.local [spmem:s19], $0x9E0  }
0x73: {  	_ =	swait.ge [sflag:s18], $0x9E0  }
0x74: {  	[sflag:s18] =	ssyncset.done $0x0  }
0x75: {  	[sflag:s18] =	ssyncadd.s32 $0xFFFFF620  }
0x76: {  	[spmem:s1], [sflag:s0] =	dma.local [hbm:s15], $0x9E0  }
0x77: {  	_ =	swait.ge [sflag:s18], $0x9E0  }
0x78: {  	[sflag:s18] =	ssyncset.done $0x0  }
0x79: {  	[sflag:s18] =	ssyncadd.s32 $0xFFFFF620  }
0x7a: {  	[spmem:s9] =	stream.linear.scatter [tilespmem:s20], [sflag:$0x5], $0x1000, $0x38;
	[tilespmem:$0x18E00] =	vst v63  }
0x7b: {  	_ =	swait.ge [sflag:s18], $0x1000  }
0x7c: {  	[sflag:s18] =	ssyncset.done $0x0  }
0x7d: {  	[sflag:s18] =	ssyncadd.s32 $0xFFFFF000  }
0x7e: {  	[spmem:s10] =	stream.linear.scatter [tilespmem:s20], [sflag:$0x5], $0x1000, $0x38;
	[tilespmem:$0x18E00] =	vst v63  }
0x7f: {  	_ =	swait.ge [sflag:s18], $0x1000  }
0x80: {  	[sflag:s18] =	ssyncset.done $0x0  }
0x81: {  	[sflag:s18] =	ssyncadd.s32 $0xFFFFF000  }
0x82: {  	[spmem:s11] =	stream.linear.scatter [tilespmem:s20], [sflag:$0x5], $0x1000, $0x38;
	[tilespmem:$0x18E00] =	vst v63  }
0x83: {  	_ =	swait.ge [sflag:s18], $0x1000  }
0x84: {  	[sflag:s18] =	ssyncset.done $0x0  }
0x85: {  	[sflag:s18] =	ssyncadd.s32 $0xFFFFF000  }
0x86: {  	[spmem:s12] =	stream.linear.scatter [tilespmem:s20], [sflag:$0x5], $0x1000, $0x38;
	[tilespmem:$0x18E00] =	vst v63  }
0x87: {  	_ =	swait.ge [sflag:s18], $0x1000  }
0x88: {  	[sflag:s18] =	ssyncset.done $0x0  }
0x89: {  	[sflag:s18] =	ssyncadd.s32 $0xFFFFF000  }
0x8a: {  	[spmem:s13] =	stream.linear.scatter [tilespmem:s20], [sflag:$0x5], $0xF00, $0x38;
	[tilespmem:$0x18E00] =	vst v63  }
0x8b: {  	_ =	swait.ge [sflag:s18], $0xF00  }
0x8c: {  	[sflag:s18] =	ssyncset.done $0x0  }
0x8d: {  	[sflag:s18] =	ssyncadd.s32 $0xFFFFF100  }
0x8e: {  	s4 =	simm.s32 $0x0;
	[bflag:$0x0] =	sbarrier.arrive $0xFFFF  }
0x8f: {  	[tilespmem:s22], [sflag:$0x1] =	stream.indirect.gather [spmem:s2], $0x20, s4, s21, $0xb8;
	[tilespmem:$0x18E00] =	vst v63  }
0x90: {  	_ = 	snop  }
0x91: {  	[tilespmem:s23], [sflag:$0x2] =	stream.indirect.gather [spmem:s2], $0x20, s21, s21, $0xb8;
	[tilespmem:$0x18E00] =	vst v63  }
0x92: {  	_ =	swait.ge [sflag:s24], $0x2000  }
0x93: {  	[sflag:s24] =	ssyncset.done $0x0  }
0x94: {  	s5 =	simm.s32 $0x5000;
	[sflag:s24] =	ssyncadd.s32 $0xFFFFE000  }
0x95: {  	[spmem:s3] =	stream.indirect.scatter.add.f32 [tilespmem:s22], [sflag:$0x3], $0x20, s5, s21, $0xb8;
	[tilespmem:$0x18E00] =	vst v63  }
0x96: {  	_ =	swait.ge [sflag:s25], $0x2000  }
0x97: {  	[sflag:s25] =	ssyncset.done $0x0  }
0x98: {  	s4 =	simm.s32 $0x5100;
	[sflag:s25] =	ssyncadd.s32 $0xFFFFE000  }
0x99: {  	[spmem:s3] =	stream.indirect.scatter.add.f32 [tilespmem:s23], [sflag:$0x4], $0x20, s4, s21, $0xb8;
	[tilespmem:$0x18E00] =	vst v63  }
0x9a: {  	_ =	swait.ge [sflag:s26], $0x2000  }
0x9b: {  	[sflag:s26] =	ssyncset.done $0x0  }
0x9c: {  	s5 =	simm.s32 $0x200;
	[sflag:s26] =	ssyncadd.s32 $0xFFFFE000  }
0x9d: {  	[tilespmem:s22], [sflag:$0x1] =	stream.indirect.gather [spmem:s2], $0x20, s5, s21, $0xb8;
	[tilespmem:$0x18E00] =	vst v63  }
0x9e: {  	_ =	swait.ge [sflag:s28], $0x2000  }
0x9f: {  	[sflag:s28] =	ssyncset.done $0x0  }
0xa0: {  	s1 =	simm.s32 $0x800;
	s4 =	simm.s32 $0x300;
	[sflag:s28] =	ssyncadd.s32 $0xFFFFE000  }
.LBB2_6:
0xa1: {  	[tilespmem:s23], [sflag:$0x2] =	stream.indirect.gather [spmem:s2], $0x20, s4, s21, $0xb8;
	[tilespmem:$0x18E00] =	vst v63  }
0xa2: {  	s4 =	smov.u32 s1  }
0xa3: {  	p0 =	sne.s32 s1, $0x13000;
	s1 =	sadd.s32 $0x800, s1;
	_ =	swait.ge [sflag:s24], $0x2000  }
0xa4: {  	s4 =	sshra.s32 s4, $0x2;
	[sflag:s24] =	ssyncset.done $0x0  }
0xa5: {  	s5 =	sadd.s32 $0x5000, s4;
	[sflag:s24] =	ssyncadd.s32 $0xFFFFE000  }
0xa6: {  	[spmem:s3] =	stream.indirect.scatter.add.f32 [tilespmem:s22], [sflag:$0x3], $0x20, s5, s21, $0xb8;
	[tilespmem:$0x18E00] =	vst v63  }
0xa7: {  	_ =	swait.ge [sflag:s25], $0x2000  }
0xa8: {  	[sflag:s25] =	ssyncset.done $0x0  }
0xa9: {  	s5 =	sadd.s32 $0x5100, s4;
	[sflag:s25] =	ssyncadd.s32 $0xFFFFE000  }
0xaa: {  	[spmem:s3] =	stream.indirect.scatter.add.f32 [tilespmem:s23], [sflag:$0x4], $0x20, s5, s21, $0xb8;
	[tilespmem:$0x18E00] =	vst v63  }
0xab: {  	_ =	swait.ge [sflag:s26], $0x2000  }
0xac: {  	[sflag:s26] =	ssyncset.done $0x0  }
.Ltmp2:
0xad: {  	s5 =	sadd.s32 $0x200, s4;
	[sflag:s26] =	ssyncadd.s32 $0xFFFFE000;
	(pc) =	sbr.rel @p0 .LBB2_6-.Ltmp2, $4  }
0xae: {  	[tilespmem:s22], [sflag:$0x1] =	stream.indirect.gather [spmem:s2], $0x20, s5, s21, $0xb8;
	[tilespmem:$0x18E00] =	vst v63  }
0xaf: {  	_ =	swait.ge [sflag:s28], $0x2000  }
0xb0: {  	[sflag:s28] =	ssyncset.done $0x0  }
0xb1: {  	s4 =	sadd.s32 $0x300, s4;
	[sflag:s28] =	ssyncadd.s32 $0xFFFFE000  }
0xb2: {  	[tilespmem:s23], [sflag:$0x2] =	stream.indirect.gather [spmem:s2], $0x20, s4, s21, $0xb8;
	[tilespmem:$0x18E00] =	vst v63  }
0xb3: {  	_ =	swait.ge [sflag:s24], $0x2000  }
0xb4: {  	[sflag:s24] =	ssyncset.done $0x0  }
0xb5: {  	[sflag:s24] =	ssyncadd.s32 $0xFFFFE000  }
0xb6: {  	[spmem:s3] =	stream.indirect.scatter.add.f32 [tilespmem:s22], [sflag:$0x3], $0x20, s29, s21, $0xb8;
	[tilespmem:$0x18E00] =	vst v63  }
0xb7: {  	_ =	swait.ge [sflag:s25], $0x2000  }
0xb8: {  	[sflag:s25] =	ssyncset.done $0x0  }
0xb9: {  	[sflag:s25] =	ssyncadd.s32 $0xFFFFE000  }
0xba: {  	[spmem:s3] =	stream.indirect.scatter.add.f32 [tilespmem:s23], [sflag:$0x4], $0x20, s30, s21, $0xb8;
	[tilespmem:$0x18E00] =	vst v63  }
0xbb: {  	_ =	swait.ge [sflag:s26], $0x2000  }
0xbc: {  	[sflag:s26] =	ssyncset.done $0x0  }
0xbd: {  	[sflag:s26] =	ssyncadd.s32 $0xFFFFE000  }
0xbe: {  	_ =	swait.ge [sflag:s28], $0x2000  }
0xbf: {  	s31 =	sadd.s32 $0x1, s31;
	[sflag:s28] =	ssyncset.done $0x0  }
0xc0: {  	p0 =	sne.s32 s31, s17;
	[sflag:s28] =	ssyncadd.s32 $0xFFFFE000  }
.Ltmp3:
0xc1: {  	[bflag:$0x0] =	sbarrier.arrive $0xFFFF;
	(pc) =	sbr.rel @p0 .LBB2_1-.Ltmp3, $4  }
0xc2: {  	[hbm:s16], [sflag:s0] =	dma.local [spmem:s19], $0x9E0  }
0xc3: {  	_ =	swait.ge [sflag:s18], $0x9E0  }
0xc4: {  	[sflag:s18] =	ssyncset.done $0x0  }
0xc5: {  	[sflag:s18] =	ssyncadd.s32 $0xFFFFF620  }
0xc6: {  	_ =	sfence.sel $0x180000  }
0xc7: {  	[bflag:$0x0] =	sbarrier.arrive $0xFFFF  }
0xc8: {  	_ =	strace $0x9000004A  }
0xc9: {  	s0 =	stileid.u32;
	[bflag:$0x2] =	sbarrier.arrive $0xFFFF  }
0xca: {  	p0 =	sne.s32 s0, $0x0;
	s0 =	rddreg [dreg:$0x3]  }
0xcb: {  	s0 =	sadd.s32 @!p0 $0x100000, s0  }
0xcc: {  	[sflag:s0] =	ssyncadd.tile.s32 @!p0 $0x1;
	_ =	shalt  }
.Lfunc_end2:
_tile_overlayer_lowered:
.L_overlay_start_2:
0xcd: {  	(tag) =	ssettag $0x2  }
0xce: {  	s0 =	rddreg [dreg:$0x0];
	s2 =	stileid.u32  }
0xcf: {  	s1 =	rddreg [dreg:$0x1];
	p0 =	sne.s32 s2, $0x0  }
0xd0: {  	s3 =	rddreg [dreg:$0x2];
	[bflag:$0x3] =	sbarrier.arrive $0xFFFF;
	s2 =	simm.s32 @!p0 $0x1C05  }
0xd1: {  	[timem:s3], [sflag:s2] =	dma.local @!p0 [hbm:s0], s1  }
0xd2: {  	s0 =	simm.s32 @!p0 $0x5  }
0xd3: {  	_ =	swait.ge @!p0 [sflag:s0], s1  }
0xd4: {  	s1 =	ssub.s32 @!p0 $0x0, s1;
	[sflag:s0] =	ssyncset.done @!p0 $0x0  }
0xd5: {  	[sflag:s0] =	ssyncadd.s32 @!p0 s1  }
0xd6: {  	[bflag:$0x3] =	sbarrier.arrive $0xFFFF  }
0xd7: {  	_ =	shalt  }

// kernel: kernel.5.cloned.1.call-start
scs
__scs_entry_jumppad:
0x0: {  	(pc) =	sbr.rel $0x88, $3  }
0x1: {  	(tag) =	ssettag $0x0;
	lr =	simm.s32 $0x1  }
0x2: {  	[smem:$0x3F95] =	sst lr;
	_ =	strace $0xD0000000  }
0x3: {  	_ = 	snop  }
0x4: {  	_ = 	snop  }
0x5: {  	_ = 	snop  }
0x6: {  	_ = 	snop  }
0x7: {  	_ = 	snop  }
__scs_overlays_trampoline_lowered:
0x8: {  	[smem:$0x3FA4] =	sst s0  }
0x9: {  	[smem:$0x3FA5] =	sst s1  }
0xa: {  	[smem:$0x3FA6] =	sst s2  }
0xb: {  	[smem:$0x3FA7] =	sst s3  }
0xc: {  	[smem:$0x3FA8] =	sst s4  }
0xd: {  	[smem:$0x3FA9] =	sst s5  }
0xe: {  	[smem:$0x3FAA] =	sst s6  }
0xf: {  	[smem:$0x3FAB] =	sst s7  }
0x10: {  	[smem:$0x3FAC] =	sst s8  }
0x11: {  	[smem:$0x3FAD] =	sst s9;
	s0 =	simm.s32 @!p0 $0x0  }
0x12: {  	s1 =	sld [smem:$0x3F93];
	s0 =	simm.s32 @p0 $0x1  }
0x13: {  	[smem:$0x3FAE] =	sst s0;
	s0 =	simm.s32 @!p1 $0x0  }
0x14: {  	s2 =	sld [smem:$0x3F92];
	s0 =	simm.s32 @p1 $0x1  }
0x15: {  	[smem:$0x3FAF] =	sst s0;
	s0 =	simm.s32 @!p2 $0x0  }
0x16: {  	s3 =	sld [smem:$0x3FDB];
	s0 =	simm.s32 @p2 $0x1  }
0x17: {  	s4 =	simm.s32 $0x1BF5;
	[smem:$0x3FB1] =	sst s0  }
0x18: {  	s0 =	sld [smem:$0x3F94];
	_ =	swait.ge [sflag:s4], $0x0  }
0x19: {  	s7 =	sld [smem:$0x3F95]  }
0x1a: {  	s8 =	sadd.s32 $0xFFFFE003, lr  }
0x1b: {  	s9 =	sadd.s32 $0xFFFFFEF7, lr;
	s5 =	simm.s32 $0xFFFFFFFF;
	p2 =	slt.u32 s8, $0xFFFFF086  }
0x1c: {  	p1 =	slt.u32 s9, $0xF7A;
	s5 =	simm.s32 @!p2 $0x0  }
0x1d: {  	s5 =	simm.s32 @p1 $0x1;
	p0 =	seq.s32 s7, s2  }
0x1e: {  	s7 =	smul.u32 @!p0 $0xF7A, s2;
	p2 =	seq.s32 @!p0 s5, $0x0  }
0x1f: {  	s9 =	smul.u32 $0xF7A, s1;
	s8 =	simm.s32 @!p0 $0x1BF5;
	p2 =	por !p2, p0  }
0x20: {  	[sflag:s8] =	ssyncset.s32 @!p0 $0xFFFFF086;
	s6 =	sadd.s32 @!p0 s3, s7;
	s7 =	simm.s32 @!p0 $0x108  }
0x21: {  	s3 =	sadd.s32 s3, s9;
	s6 =	sadd.s32 @!p0 $0x88, s6;
	s7 =	simm.s32 @p2 $0x1082  }
0x22: {  	[simem:s7], [sflag:s8] =	dma.local @!p0 [hbm:s6], $0xF7A  }
0x23: {  	s9 =	sor.u32 $0xD0000000, s2;
	s6 =	simm.s32 $0x108;
	_ =	swait.ge @!p0 [sflag:s8], $0x0  }
0x24: {  	s3 =	sadd.s32 $0x88, s3;
	s6 =	simm.s32 @!p1 $0x1082;
	[sflag:s4] =	ssyncset.s32 $0xFFFFF086  }
0x25: {  	[simem:s6], [sflag:s4] =	dma.local [hbm:s3], $0xF7A  }
0x26: {  	[smem:$0x3F95] =	sst s1;
	(tag) =	ssettag s2;
	_ =	strace s9  }
0x27: {  	s1 =	sld [smem:$0x3FA5]  }
0x28: {  	s2 =	sld [smem:$0x3FA6]  }
0x29: {  	s4 =	sld [smem:$0x3FA8]  }
0x2a: {  	p0 =	seq.s32 s5, $0x0;
	s5 =	sld [smem:$0x3FA9]  }
0x2b: {  	s6 =	sld [smem:$0x3FAA]  }
0x2c: {  	s7 =	sld [smem:$0x3FAB]  }
0x2d: {  	s3 =	simm.s32 $0x108;
	s8 =	sld [smem:$0x3FAC]  }
0x2e: {  	s3 =	simm.s32 @!p0 $0x1082;
	s9 =	sld [smem:$0x3FAD]  }
0x2f: {  	lr =	sadd.s32 s0, s3;
	s0 =	sld [smem:$0x3FA4]  }
0x30: {  	s3 =	sld [smem:$0x3FA7]  }
0x31: {  	[smem:$0x3FB0] =	sst s10  }
0x32: {  	s10 =	sld [smem:$0x3FAE];
	_ =	sdelay $0x3  }
0x33: {  	p0 =	seq.s32 s10, $0x1;
	s10 =	sld [smem:$0x3FB0];
	_ =	sdelay $0x3  }
0x34: {  	[smem:$0x3FB0] =	sst s10  }
0x35: {  	s10 =	sld [smem:$0x3FAF];
	_ =	sdelay $0x3  }
0x36: {  	p1 =	seq.s32 s10, $0x1;
	s10 =	sld [smem:$0x3FB0];
	_ =	sdelay $0x3  }
0x37: {  	[smem:$0x3FB0] =	sst s10  }
0x38: {  	s10 =	sld [smem:$0x3FB1]  }
0x39: {  	_ = 	snop;
	(pc) =	sbr.ind lr, $3  }
0x3a: {  	_ = 	snop  }
0x3b: {  	_ = 	snop  }
0x3c: {  	p2 =	seq.s32 s10, $0x1;
	s10 =	sld [smem:$0x3FB0]  }
0x3d: {  	_ =	shalt  }
0x3e: {  	_ =	shalt  }
0x3f: {  	_ =	shalt  }
0x40: {  	_ =	shalt  }
0x41: {  	_ =	shalt  }
0x42: {  	_ =	shalt  }
0x43: {  	_ =	shalt  }
0x44: {  	_ =	shalt  }
0x45: {  	_ =	shalt  }
0x46: {  	_ =	shalt  }
0x47: {  	_ =	shalt  }
0x48: {  	_ =	shalt  }
0x49: {  	_ =	shalt  }
0x4a: {  	_ =	shalt  }
0x4b: {  	_ =	shalt  }
0x4c: {  	_ =	shalt  }
0x4d: {  	_ =	shalt  }
0x4e: {  	_ =	shalt  }
0x4f: {  	_ =	shalt  }
0x50: {  	_ =	shalt  }
0x51: {  	_ =	shalt  }
0x52: {  	_ =	shalt  }
0x53: {  	_ =	shalt  }
0x54: {  	_ =	shalt  }
0x55: {  	_ =	shalt  }
0x56: {  	_ =	shalt  }
0x57: {  	_ =	shalt  }
0x58: {  	_ =	shalt  }
0x59: {  	_ =	shalt  }
0x5a: {  	_ =	shalt  }
0x5b: {  	_ =	shalt  }
0x5c: {  	_ =	shalt  }
0x5d: {  	_ =	shalt  }
0x5e: {  	_ =	shalt  }
0x5f: {  	_ =	shalt  }
0x60: {  	_ =	shalt  }
0x61: {  	_ =	shalt  }
0x62: {  	_ =	shalt  }
0x63: {  	_ =	shalt  }
0x64: {  	_ =	shalt  }
0x65: {  	_ =	shalt  }
0x66: {  	_ =	shalt  }
0x67: {  	_ =	shalt  }
0x68: {  	_ =	shalt  }
0x69: {  	_ =	shalt  }
0x6a: {  	_ =	shalt  }
0x6b: {  	_ =	shalt  }
0x6c: {  	_ =	shalt  }
0x6d: {  	_ =	shalt  }
0x6e: {  	_ =	shalt  }
0x6f: {  	_ =	shalt  }
0x70: {  	_ =	shalt  }
0x71: {  	_ =	shalt  }
0x72: {  	_ =	shalt  }
0x73: {  	_ =	shalt  }
0x74: {  	_ =	shalt  }
0x75: {  	_ =	shalt  }
0x76: {  	_ =	shalt  }
0x77: {  	_ =	shalt  }
0x78: {  	_ =	shalt  }
0x79: {  	_ =	shalt  }
0x7a: {  	_ =	shalt  }
0x7b: {  	_ =	shalt  }
0x7c: {  	_ =	shalt  }
0x7d: {  	_ =	shalt  }
0x7e: {  	_ =	shalt  }
0x7f: {  	_ =	shalt  }
0x80: {  	_ =	shalt  }
0x81: {  	_ =	shalt  }
0x82: {  	_ =	shalt  }
0x83: {  	_ =	shalt  }
0x84: {  	_ =	shalt  }
0x85: {  	_ =	shalt  }
0x86: {  	_ =	shalt  }
0x87: {  	_ =	shalt  }
.Lfunc_end0:
.L_simem_size_0:
called_computation.1_lowered:
.L_overlay_start_0:
0x88: {  	s2 =	sld [smem:$0x3FD9]  }
0x89: {  	s3 =	sld [smem:$0x3FFE];
	_ =	sdelay $0x1  }
0x8a: {  	s1 =	srdreg.scid  }
0x8b: {  	s0 =	sand.u32 $0x1, s1  }
0x8c: {  	s16 =	sshll.u32 s0, $0xA;
	s2 =	sadd.s32 s3, s2  }
0x8d: {  	s2 =	sadd.s32 s2, s16  }
0x8e: {  	[smem:$0x3FBC] =	sst s2  }
0x8f: {  	_ = 	snop  }
0x90: {  	(tm) =	ssettm $0x1  }
0x91: {  	s17 =	sld [smem:$0x3FFB];
	_ =	sdelay $0x3  }
0x92: {  	_ =	strace s17  }
0x93: {  	s2 =	sld [smem:$0x3FFC];
	_ =	sdelay $0x3  }
0x94: {  	_ =	strace s2  }
0x95: {  	s2 =	sld [smem:$0x3FFD];
	_ =	sdelay $0x3  }
0x96: {  	_ =	strace s2  }
0x97: {  	_ =	strace $0x8FFFFFFF  }
0x98: {  	s18 =	sld [smem:$0x3FDB];
	_ =	sdelay $0x1  }
0x99: {  	s19 =	simm.s32 $_scs_section_size  }
0x9a: {  	s4 =	simm.s32 $_size__tile_overlayer_lowered;
	s5 =	simm.s32 $_tile_overlayer_lowered  }
0x9b: {  	s22 =	simm.s32 $0x1BFF;
	s21 =	sshll.u32 s5, $0x1;
	s2 =	sadd.s32 s19, s18  }
0x9c: {  	s6 =	simm.s32 $0x0;
	s20 =	sshll.u32 s4, $0x1;
	s4 =	sadd.s32 s21, s2  }
0x9d: {  	[timem:s6], [sflag:s22] =	dma.local [hbm:s4], s20  }
0x9e: {  	_ =	swait.ge [sflag:s22], s20  }
0x9f: {  	s3 =	ssub.s32 $0x0, s20;
	[sflag:s22] =	ssyncset.done $0x0  }
0xa0: {  	[sflag:s22] =	ssyncadd.s32 s3;
	_ =	sdelay $0x1  }
0xa1: {  	s23 =	simm.s32 $0x1B8B  }
0xa2: {  	_ =	swait.ge [sflag:s23], $0x1  }
0xa3: {  	[sflag:s23] =	ssyncset.done $0x0  }
0xa4: {  	s25 =	simm.s32 $0x1B8E;
	s24 =	sld [smem:$0x3FFE];
	[sflag:s23] =	ssyncadd.s32 $0xFFFFFFFF  }
0xa5: {  	s26 =	simm.s32 $execute0_lowered;
	[smem:$0x3FD2] =	sst s25  }
0xa6: {  	s4 =	sshll.u32 s26, $0x1;
	_ =	strace $0x80000046;
	[dreg:$0x1] =	wrdreg $0xFFFFFFFF  }
0xa7: {  	s28 =	simm.s32 $_size_execute0_lowered;
	s2 =	sadd.s32 s2, s4;
	[dreg:$0x0] =	wrdreg $0x0  }
0xa8: {  	s4 =	sshll.u32 s28, $0x1;
	[dreg:$0x2] =	wrdreg s2  }
0xa9: {  	[dreg:$0x3] =	wrdreg s4  }
0xaa: {  	[dreg:$0x4] =	wrdreg $0xC0  }
0xab: {  	_ =	task [dreg:s6], $0x5FFFF  }
0xac: {  	[dreg:$0x1] =	wrdreg $0xFFFFFFFF  }
0xad: {  	[dreg:$0x0] =	wrdreg $0x60  }
0xae: {  	[dreg:$0x2] =	wrdreg s24  }
0xaf: {  	[dreg:$0x3] =	wrdreg $0x43800  }
0xb0: {  	[dreg:$0x4] =	wrdreg $0x9  }
0xb1: {  	_ =	task.clear_ibuf [dreg:s6], $0x5FFFF;
	_ =	strace $0x90000046  }
0xb2: {  	s29 =	simm.s32 $0x9;
	_ =	strace $0x80000048  }
0xb3: {  	_ =	swait.ge [sflag:s29], $0x1  }
0xb4: {  	[sflag:s29] =	ssyncadd.s32 $0xFFFFFFFF  }
0xb5: {  	_ =	strace $0x90000048  }
0xb6: {  	_ =	sfence  }
0xb7: {  	s30 =	sld [smem:$0x0];
	_ =	sdelay $0x2  }
0xb8: {  	s31 =	sshll.u32 s1, $0xD;
	s1 =	sshrl.u32 s1, $0x2  }
0xb9: {  	s3 =	sand.u32 $0x4000, s31;
	s1 =	sadd.s32 s1, s30  }
0xba: {  	s0 =	sor.u32 s3, s0;
	s1 =	sshll.u32 s1, $0x11  }
0xbb: {  	s0 =	sor.u32 s1, s0  }
0xbc: {  	s0 =	sadd.s32 $0x8F2B, s0  }
0xbd: {  	[sflag:s0] =	ssyncadd.remote.s32 $0x1  }
0xbe: {  	_ =	sfence.sel $0xFFFF  }
0xbf: {  	[dreg:$0x0] =	wrdreg $0xFFFFFFFF;
	(pc) =	sbr.abs _section_cstart, $3  }
0xc0: {  	[dreg:$0x1] =	wrdreg $0xFFFFFFFF  }
0xc1: {  	_ =	task.clear_ibuf [dreg:s6], $0x2FFFF;
	_ =	strace $0x9FFFFFFF  }
0xc2: {  	(tm) =	ssettm $0x7FFFFFFF  }
0xc3: {  	_ =	shalt  }
tec
execute0_lowered:
.L_overlay_start_1:
0x0: {  	(tag) =	ssettag $0x1  }
0x1: {  	s4 =	rddreg [dreg:$0x0];
	s0 =	srdreg.scid  }
0x2: {  	s2 =	rddreg [dreg:$0x1];
	s1 =	stileid.u32  }
0x3: {  	s3 =	simm.s32 $0x0;
	s11 =	simm.s32 $0x80;
	s12 =	simm.s32 $0x2780  }
0x4: {  	s5 =	sand.u32 $0x1, s0;
	s0 =	rddreg [dreg:$0x2];
	s7 =	smul.u32 $0x2780, s1  }
0x5: {  	s15 =	simm.s32 $0x0;
	[smem:$0x7FF] =	sst s3;
	s9 =	smul.u32 $0x9E00, s1  }
0x6: {  	s13 =	sshll.u32 s1, $0x6;
	s6 =	sshll.u32 s5, $0x4;
	s8 =	smul.u32 $0x27800, s5  }
0x7: {  	_ =	strace $0x80000047;
	s5 =	ssub.s32 $0x2, s5;
	s13 =	sor.u32 $0x1C01, s13  }
0x8: {  	s6 =	sor.u32 s1, s6;
	s30 =	sshrl.u32 s5, $0x1;
	s9 =	sshrl.u32 s9, $0x2  }
0x9: {  	s6 =	smul.u32 $0x4F0, s6;
	s8 =	sadd.s32 s7, s8;
	s10 =	ssub.s32 s5, s30  }
0xa: {  	s31 =	sadd.s32 s9, s2;
	s5 =	sadd.s32 s7, s2;
	s9 =	simm.s32 $0x1  }
0xb: {  	s8 =	sshrl.u32 s8, $0x3;
	s14 =	sshrl.u32 s5, $0x3;
	s6 =	sadd.s32 s6, s4  }
0xc: {  	s8 =	sadd.s32 s8, s4;
	s4 =	sadd.s32 $0x2400, s6;
	s6 =	sadd.s32 $0x1400, s31  }
0xd: {  	v0 =	vimm.f32 $1.000000000e+00;
	v1 =	vimm.f32 $0.0e+00;
	s7 =	sadd.s32 $0xC200, s8;
	s8 =	smax.u32 s10, $0x1;
	s10 =	simm.s32 $0x2F80  }
.LBB2_1:
0xe: {  	[tilespmem:s3], [sflag:$0x1] =	stream.linear.gather [hbm4b:s4+s3], $0x2780, $0x38;
	[tilespmem:$0x6B00] =	vst v63  }
0xf: {  	_ =	swait.ge [sflag:s9], $0x2780  }
0x10: {  	[sflag:s9] =	ssyncset.done $0x0  }
0x11: {  	s16 =	simm.s32 $0x0;
	[sflag:s9] =	ssyncadd.s32 $0xFFFFD880  }
.LBB2_2:
0x12: {  	p0 =	sne.s32 s16, $0x1FC0  }
.Ltmp0:
0x13: {  	_ = 	snop;
	(pc) =	sbr.rel @p0 .LBB2_2-.Ltmp0, $3  }
0x14: {  	_ =	sdelay $0x1  }
0x15: {  	s17 =	sshra.s32 s16, $0x2  }
0x16: {  	s16 =	sadd.s32 $0x40, s16;
	[tilespmem:s17+$0x2780] =	vst v0  }
0x17: {  	s16 =	simm.s32 $0x40;
	s17 =	simm.s32 $0x0  }
.LBB2_4:
0x18: {  	p0 =	sne.s32 s16, $0x4FC0;
	[tilespmem:s17+$0x2F80] =	vst v1;
	s17 =	smov.u32 s16;
	s16 =	sadd.s32 $0x40, s16  }
.Ltmp1:
0x19: {  	(pc) =	sbr.rel @p0 .LBB2_4-.Ltmp1, $2  }
0x1a: {  	_ =	sdelay $0x2  }
0x1b: {  	s17 =	sshra.s32 s17, $0x2  }
0x1c: {  	[tilespmem:s17+$0x2F80] =	vst v1  }
0x1d: {  	[spmem:s5] =	stream.linear.scatter [tilespmem:s10], [sflag:$0x1], $0x1400, $0x38;
	[tilespmem:$0x6B00] =	vst v63  }
0x1e: {  	_ =	swait.ge [sflag:s9], $0x1400  }
0x1f: {  	[sflag:s9] =	ssyncset.done $0x0  }
0x20: {  	[sflag:s9] =	ssyncadd.s32 $0xFFFFEC00  }
0x21: {  	[spmem:s6] =	stream.linear.scatter [tilespmem:s10], [sflag:$0x1], $0x1380, $0x38;
	[tilespmem:$0x6B00] =	vst v63  }
0x22: {  	_ =	swait.ge [sflag:s9], $0x1380  }
0x23: {  	[sflag:s9] =	ssyncset.done $0x0  }
0x24: {  	[sflag:s9] =	ssyncadd.s32 $0xFFFFEC80  }
0x25: {  	s16 =	simm.s32 $0x0;
	[bflag:$0x0] =	sbarrier.arrive $0xFFFF  }
0x26: {  	[spmem:s2] =	stream.indirect.scatter.add.f32 [tilespmem:s12], [sflag:$0x1], $0x10, s16, s11, $0xb8;
	[tilespmem:$0x6B00] =	vst v63  }
0x27: {  	_ =	swait.ge [sflag:s9], $0x800  }
0x28: {  	s16 =	simm.s32 $0x200;
	[sflag:s9] =	ssyncset.done $0x0  }
.LBB2_6:
0x29: {  	s17 =	sshra.s32 s16, $0x2;
	[sflag:s9] =	ssyncadd.s32 $0xFFFFF800;
	p0 =	sne.s32 s16, $0x9C00  }
0x2a: {  	[spmem:s2] =	stream.indirect.scatter.add.f32 [tilespmem:s12], [sflag:$0x1], $0x10, s17, s11, $0xb8;
	[tilespmem:$0x6B00] =	vst v63  }
.Ltmp2:
0x2b: {  	_ = 	snop;
	(pc) =	sbr.rel @p0 .LBB2_6-.Ltmp2, $4  }
0x2c: {  	_ = 	snop  }
0x2d: {  	s16 =	sadd.s32 $0x200, s16  }
0x2e: {  	_ =	swait.ge [sflag:s9], $0x800  }
0x2f: {  	[sflag:s9] =	ssyncset.done $0x0  }
0x30: {  	s15 =	sadd.s32 $0x1, s15  }
0x31: {  	[sflag:s9] =	ssyncadd.s32 $0xFFFFF800;
	p0 =	sne.s32 s15, s8  }
.Ltmp3:
0x32: {  	[bflag:$0x0] =	sbarrier.arrive $0xFFFF;
	(pc) =	sbr.rel @p0 .LBB2_1-.Ltmp3, $4  }
0x33: {  	[hbm:s7], [sflag:s13] =	dma.local [spmem:s14], $0x4F0  }
0x34: {  	_ =	swait.ge [sflag:s9], $0x4F0  }
0x35: {  	[sflag:s9] =	ssyncset.done $0x0  }
0x36: {  	[sflag:s9] =	ssyncadd.s32 $0xFFFFFB10  }
0x37: {  	_ =	sfence.sel $0x180000  }
0x38: {  	[bflag:$0x0] =	sbarrier.arrive $0xFFFF  }
0x39: {  	p0 =	sne.s32 s1, $0x0;
	_ =	strace $0x90000047  }
0x3a: {  	s0 =	sadd.s32 @!p0 $0x100000, s0;
	[bflag:$0x2] =	sbarrier.arrive $0xFFFF  }
0x3b: {  	[sflag:s0] =	ssyncadd.tile.s32 @!p0 $0x1;
	_ =	shalt  }
.Lfunc_end2:
_tile_overlayer_lowered:
.L_overlay_start_2:
0x3c: {  	(tag) =	ssettag $0x2  }
0x3d: {  	s0 =	rddreg [dreg:$0x0];
	s2 =	stileid.u32  }
0x3e: {  	s1 =	rddreg [dreg:$0x1];
	p0 =	sne.s32 s2, $0x0  }
0x3f: {  	s3 =	rddreg [dreg:$0x2];
	[bflag:$0x3] =	sbarrier.arrive $0xFFFF;
	s2 =	simm.s32 @!p0 $0x1C01  }
0x40: {  	[timem:s3], [sflag:s2] =	dma.local @!p0 [hbm:s0], s1  }
0x41: {  	s0 =	simm.s32 @!p0 $0x1  }
0x42: {  	_ =	swait.ge @!p0 [sflag:s0], s1  }
0x43: {  	s1 =	ssub.s32 @!p0 $0x0, s1;
	[sflag:s0] =	ssyncset.done @!p0 $0x0  }
0x44: {  	[sflag:s0] =	ssyncadd.s32 @!p0 s1  }
0x45: {  	[bflag:$0x3] =	sbarrier.arrive $0xFFFF  }
0x46: {  	_ =	shalt  }

</sc_bundles>
